<compile_context>
chip_gen: v7x
topology: tpu7x:2x2x1
jax: 0.10.2.dev20260603
libtpu: 0.0.44.dev20260713+nightly
codegen_flags: <defaults>
</compile_context>

<pallas_src>
import functools

import jax
import jax.numpy as jnp
from jax import lax
from jax.experimental import pallas as pl
from jax.experimental.pallas import tpu as pltpu
from jax.experimental.pallas import tpu_sc as plsc

_NUM_BINS = 15
_NSLOTS = 16
_LANES = 16
_ACC_WORDS = _NSLOTS * _LANES

_NC = 2
_NS = 16
_NW = _NC * _NS

_CHUNK = 8192
_UNROLL = 4


def _sc_partials(conf, acc, n_sc):
    per_w = n_sc // _NW
    n_chunks = per_w // _CHUNK

    mesh = plsc.VectorSubcoreMesh(core_axis_name="c", subcore_axis_name="s")

    @functools.partial(
        pl.kernel,
        mesh=mesh,
        out_type=(
            jax.ShapeDtypeStruct((_NW, _ACC_WORDS), jnp.float32),
            jax.ShapeDtypeStruct((_NW, _ACC_WORDS), jnp.int32),
        ),
        scratch_types=[
            pltpu.VMEM((2 * _CHUNK,), jnp.float32),
            pltpu.VMEM((2 * _CHUNK,), jnp.int32),
            pltpu.VMEM((_ACC_WORDS,), jnp.float32),
            pltpu.VMEM((_ACC_WORDS,), jnp.int32),
            pltpu.SemaphoreType.DMA,
            pltpu.SemaphoreType.DMA,
            pltpu.SemaphoreType.DMA,
            pltpu.SemaphoreType.DMA,
        ],
        compiler_params=pltpu.CompilerParams(needs_layout_passes=False),
    )
    def k(conf_hbm, acc_hbm, outf_hbm, outi_hbm, conf_v, acc_v,
          accum_v, accum_i, semc0, semc1, sema0, sema1):
        csems = (semc0, semc1)
        asems = (sema0, sema1)
        wid = lax.axis_index("s") * _NC + lax.axis_index("c")
        base = wid * per_w
        zeros = jnp.zeros((_LANES,), jnp.float32)
        zeros_i = jnp.zeros((_LANES,), jnp.int32)
        for i in range(_ACC_WORDS // _LANES):
            accum_v[pl.ds(i * _LANES, _LANES)] = zeros
            accum_i[pl.ds(i * _LANES, _LANES)] = zeros_i
        lane = lax.iota(jnp.int32, _LANES)

        def issue(ci, b):
            off = base + ci * _CHUNK
            pltpu.async_copy(
                conf_hbm.at[pl.ds(off, _CHUNK)],
                conf_v.at[pl.ds(b * _CHUNK, _CHUNK)], csems[b])
            pltpu.async_copy(
                acc_hbm.at[pl.ds(off, _CHUNK)],
                acc_v.at[pl.ds(b * _CHUNK, _CHUNK)], asems[b])

        def wait(b):
            pltpu.make_async_copy(
                conf_hbm.at[pl.ds(0, _CHUNK)],
                conf_v.at[pl.ds(b * _CHUNK, _CHUNK)], csems[b]).wait()
            pltpu.make_async_copy(
                acc_hbm.at[pl.ds(0, _CHUNK)],
                acc_v.at[pl.ds(b * _CHUNK, _CHUNK)], asems[b]).wait()

        def compute(b):
            b0 = b * _CHUNK

            @plsc.parallel_loop(0, _CHUNK, step=_LANES, unroll=_UNROLL)
            def vec_body(s):
                c = conf_v[pl.ds(b0 + s, _LANES)]
                a = acc_v[pl.ds(b0 + s, _LANES)]
                t = (c * 15.0).astype(jnp.int32)
                idx = t * _LANES + lane
                m = c > 0.0
                plsc.addupdate_scatter(accum_v, [idx], c, mask=m)
                plsc.addupdate_scatter(accum_i, [idx], (a << 16) | 1, mask=m)

        issue(0, 0)
        issue(1, 1)

        def pair_body(g, carry):
            for b in range(2):
                ci = g * 2 + b
                wait(b)
                compute(b)
                issue(ci + 2, b)
            return carry

        lax.fori_loop(0, n_chunks // 2 - 1, pair_body, 0)
        for b in range(2):
            wait(b)
            compute(b)
        pltpu.sync_copy(accum_v, outf_hbm.at[wid])
        pltpu.sync_copy(accum_i, outi_hbm.at[wid])

    return k(conf, acc)


_TC_BLKG = 128
_TC_BLOCKS = 36


def _tc_partials(conf, acc):
    conf3 = conf.reshape(-1, 8, 128)
    acc3 = acc.reshape(-1, 8, 128)
    first = conf3.shape[0] // _TC_BLKG - _TC_BLOCKS

    def body(c_ref, a_ref, ocf_ref, opk_ref):
        @pl.when(pl.program_id(0) == 0)
        def _():
            ocf_ref[...] = jnp.zeros((_NSLOTS, 8, 128), jnp.float32)
            opk_ref[...] = jnp.zeros((_NSLOTS, 8, 128), jnp.int32)

        c = c_ref[...]
        a = a_ref[...]
        t = (c * 15.0).astype(jnp.int32)
        t = jnp.where(c > 0.0, t, 15)
        pkv = (a << 16) | 1
        zi = jnp.zeros_like(pkv)
        zf = jnp.zeros_like(c)
        for b in range(_NUM_BINS):
            m = t == b
            ocf_ref[b] += jnp.sum(jnp.where(m, c, zf), axis=0)
            opk_ref[b] += jnp.sum(jnp.where(m, pkv, zi), axis=0)

    return pl.pallas_call(
        body,
        grid=(_TC_BLOCKS,),
        in_specs=[
            pl.BlockSpec((_TC_BLKG, 8, 128), lambda i: (first + i, 0, 0)),
            pl.BlockSpec((_TC_BLKG, 8, 128), lambda i: (first + i, 0, 0)),
        ],
        out_specs=[
            pl.BlockSpec((_NSLOTS, 8, 128), lambda i: (0, 0, 0)),
            pl.BlockSpec((_NSLOTS, 8, 128), lambda i: (0, 0, 0)),
        ],
        out_shape=[
            jax.ShapeDtypeStruct((_NSLOTS, 8, 128), jnp.float32),
            jax.ShapeDtypeStruct((_NSLOTS, 8, 128), jnp.int32),
        ],
    )(conf3, acc3)


def _finalize(cf_parts, pk_parts, tcf, tpk, n):
    inv_n = 1.0 / float(n)

    def body(cf_ref, pk_ref, tcf_ref, tpk_ref, o_ref):
        cfc = cf_ref[...]
        pk = pk_ref[...]
        cnt_row = jnp.sum((pk & 0xFFFF).astype(jnp.float32),
                          axis=0, keepdims=True)
        ac_row = jnp.sum(
            lax.shift_right_logical(pk, 16).astype(jnp.float32),
            axis=0, keepdims=True)
        cf_row = jnp.sum(cfc, axis=0, keepdims=True)
        tpkv = tpk_ref[...]
        cf_t = jnp.sum(tcf_ref[...], axis=1, keepdims=True)
        cnt_t = jnp.sum((tpkv & 0xFFFF).astype(jnp.float32),
                        axis=1, keepdims=True)
        ac_t = jnp.sum(lax.shift_right_logical(tpkv, 16).astype(jnp.float32),
                       axis=1, keepdims=True)
        ece = jnp.float32(0.0)
        for s in range(_NUM_BINS):
            lo, hi = s * _LANES, (s + 1) * _LANES
            cnt = jnp.sum(cnt_row[0:1, lo:hi]) + cnt_t[s, 0]
            cf = jnp.sum(cf_row[0:1, lo:hi]) + cf_t[s, 0]
            ac = jnp.sum(ac_row[0:1, lo:hi]) + ac_t[s, 0]
            safe = jnp.maximum(cnt, 1.0)
            term = jnp.abs(cf / safe - ac / safe) * (cnt * inv_n)
            ece = ece + jnp.where(cnt > 0.0, term, 0.0)
        o_ref[0, 0] = ece

    return pl.pallas_call(
        body,
        out_shape=jax.ShapeDtypeStruct((1, 1), jnp.float32),
        out_specs=pl.BlockSpec(memory_space=pltpu.SMEM),
    )(cf_parts, pk_parts, tcf, tpk)


def kernel(confidences, accuracies):
    n = confidences.shape[0]
    n_tc = _TC_BLOCKS * _TC_BLKG * 1024
    cf_parts, pk_parts = _sc_partials(confidences, accuracies, n - n_tc)
    tcf, tpk = _tc_partials(confidences, accuracies)
    tcf = tcf.reshape(_NSLOTS, 8 * 128)
    tpk = tpk.reshape(_NSLOTS, 8 * 128)
    return _finalize(
        cf_parts, pk_parts, tcf, tpk, confidences.shape[0])[0, 0]

# --- scband reference (transcript-rebuilt; emitter-appended) ---
"""Pipeline reference for scband-confidence-calibration-15427522527736 (READ-ONLY COPY).

The authoritative reference and input builder live on the scoring server;
editing this copy changes nothing except your own understanding.
"""

import jax, jax.numpy as jnp
import numpy as np

NUM_BINS = 15
N = 16777216

def setup_inputs(seed: int = 0) -> dict:
    key = jax.random.key(seed)
    k1, k2 = jax.random.split(key)
    confidences = jax.random.uniform(k1, (N,), dtype=jnp.float32)
    accuracies = jax.random.randint(k2, (N,), 0, 2, dtype=jnp.int32)
    return {"confidences": confidences, "accuracies": accuracies}

def reference(confidences, accuracies):
    bin_boundaries = jnp.linspace(0.0, 1.0, NUM_BINS + 1)
    acc_f = accuracies.astype(jnp.float32)
    n = confidences.shape[0]
    ece = jnp.float32(0.0)
    for i in range(NUM_BINS):
        bin_lower = bin_boundaries[i]
        bin_upper = bin_boundaries[i + 1]
        in_bin = (confidences > bin_lower) & (confidences <= bin_upper)
        count = in_bin.sum()
        prop_in_bin = count.astype(jnp.float32) / n
        safe_count = jnp.maximum(count, 1).astype(jnp.float32)
        accuracy_in_bin = jnp.where(in_bin, acc_f, 0.0).sum() / safe_count
        avg_confidence_in_bin = jnp.where(in_bin, confidences, 0.0).sum() / safe_count
        term = jnp.abs(avg_confidence_in_bin - accuracy_in_bin) * prop_in_bin
        ece = ece + jnp.where(count > 0, term, jnp.float32(0.0))
    return ece

if __name__ == "__main__":
    import jax
    _d = setup_inputs()
    print(jax.jit(kernel)(*tuple(_d.values())))

</pallas_src>

<mosaic_0001>
#map = affine_map<(d0, d1) -> (0)>
#map1 = affine_map<(d0, d1) -> (0, 0)>
module attributes {stable_mosaic.version = 14 : i64} {
  func.func @k(%arg0: i32, %arg1: i32, %arg2: memref<16777216xf32, #tpu.memory_space<hbm>>, %arg3: memref<16777216xi32, #tpu.memory_space<hbm>>, %arg4: memref<32x256xf32, #tpu.memory_space<hbm>>, %arg5: memref<32x256xi32, #tpu.memory_space<hbm>>, %arg6: memref<16384xf32, #tpu.memory_space<vmem>>, %arg7: memref<16384xi32, #tpu.memory_space<vmem>>, %arg8: memref<256xf32, #tpu.memory_space<vmem>>, %arg9: memref<256xi32, #tpu.memory_space<vmem>>, %arg10: memref<!tpu.dma_semaphore, #tpu.memory_space<semaphore_mem>>, %arg11: memref<!tpu.dma_semaphore, #tpu.memory_space<semaphore_mem>>, %arg12: memref<!tpu.dma_semaphore, #tpu.memory_space<semaphore_mem>>, %arg13: memref<!tpu.dma_semaphore, #tpu.memory_space<semaphore_mem>>) attributes {dimension_semantics = [#tpu.dimension_semantics<core_parallel>, #tpu.dimension_semantics<subcore_parallel>], iteration_bounds = array<i64: 2, 16>, scalar_prefetch = 0 : i64, scratch_operands = 8 : i64, tpu.core_type = #tpu.core_type<sc_vector_subcore>, window_params = [{transform_indices = #map}, {transform_indices = #map}, {transform_indices = #map1}, {transform_indices = #map1}]} {
    %mul3A = arith.constant 2 : i32
    %mul3A_0 = arith.muli %arg1, %mul3A : i32
    %add3A = arith.addi %mul3A_0, %arg0 : i32
    %mul3A_1 = arith.constant 376832 : i32
    %mul3A_2 = arith.muli %add3A, %mul3A_1 : i32
    %broadcast_in_dim3A = arith.constant 0.000000e+00 : f32
    %broadcast_in_dim3A_3 = vector.broadcast %broadcast_in_dim3A : f32 to vector<16xf32>
    %broadcast_in_dim3A_4 = arith.constant 0 : i32
    %broadcast_in_dim3A_5 = vector.broadcast %broadcast_in_dim3A_4 : i32 to vector<16xi32>
    %swap3A = arith.constant 0 : index
    %swap3A_6 = tpu.vector_load %arg8[%swap3A] {strides = array<i32>} : memref<256xf32, #tpu.memory_space<vmem>>, vector<16xf32>,
    tpu.vector_store %arg8[%swap3A], %broadcast_in_dim3A_3 {strides = array<i32>} : memref<256xf32, #tpu.memory_space<vmem>>, vector<16xf32>,
    %swap3A_7 = arith.constant 0 : index
    %swap3A_8 = tpu.vector_load %arg9[%swap3A_7] {strides = array<i32>} : memref<256xi32, #tpu.memory_space<vmem>>, vector<16xi32>,
    tpu.vector_store %arg9[%swap3A_7], %broadcast_in_dim3A_5 {strides = array<i32>} : memref<256xi32, #tpu.memory_space<vmem>>, vector<16xi32>,
    %swap3A_9 = arith.constant 16 : index
    %swap3A_10 = tpu.vector_load %arg8[%swap3A_9] {strides = array<i32>} : memref<256xf32, #tpu.memory_space<vmem>>, vector<16xf32>,
    tpu.vector_store %arg8[%swap3A_9], %broadcast_in_dim3A_3 {strides = array<i32>} : memref<256xf32, #tpu.memory_space<vmem>>, vector<16xf32>,
    %swap3A_11 = arith.constant 16 : index
    %swap3A_12 = tpu.vector_load %arg9[%swap3A_11] {strides = array<i32>} : memref<256xi32, #tpu.memory_space<vmem>>, vector<16xi32>,
    tpu.vector_store %arg9[%swap3A_11], %broadcast_in_dim3A_5 {strides = array<i32>} : memref<256xi32, #tpu.memory_space<vmem>>, vector<16xi32>,
    %swap3A_13 = arith.constant 32 : index
    %swap3A_14 = tpu.vector_load %arg8[%swap3A_13] {strides = array<i32>} : memref<256xf32, #tpu.memory_space<vmem>>, vector<16xf32>,
    tpu.vector_store %arg8[%swap3A_13], %broadcast_in_dim3A_3 {strides = array<i32>} : memref<256xf32, #tpu.memory_space<vmem>>, vector<16xf32>,
    %swap3A_15 = arith.constant 32 : index
    %swap3A_16 = tpu.vector_load %arg9[%swap3A_15] {strides = array<i32>} : memref<256xi32, #tpu.memory_space<vmem>>, vector<16xi32>,
    tpu.vector_store %arg9[%swap3A_15], %broadcast_in_dim3A_5 {strides = array<i32>} : memref<256xi32, #tpu.memory_space<vmem>>, vector<16xi32>,
    %swap3A_17 = arith.constant 48 : index
    %swap3A_18 = tpu.vector_load %arg8[%swap3A_17] {strides = array<i32>} : memref<256xf32, #tpu.memory_space<vmem>>, vector<16xf32>,
    tpu.vector_store %arg8[%swap3A_17], %broadcast_in_dim3A_3 {strides = array<i32>} : memref<256xf32, #tpu.memory_space<vmem>>, vector<16xf32>,
    %swap3A_19 = arith.constant 48 : index
    %swap3A_20 = tpu.vector_load %arg9[%swap3A_19] {strides = array<i32>} : memref<256xi32, #tpu.memory_space<vmem>>, vector<16xi32>,
    tpu.vector_store %arg9[%swap3A_19], %broadcast_in_dim3A_5 {strides = array<i32>} : memref<256xi32, #tpu.memory_space<vmem>>, vector<16xi32>,
    %swap3A_21 = arith.constant 64 : index
    %swap3A_22 = tpu.vector_load %arg8[%swap3A_21] {strides = array<i32>} : memref<256xf32, #tpu.memory_space<vmem>>, vector<16xf32>,
    tpu.vector_store %arg8[%swap3A_21], %broadcast_in_dim3A_3 {strides = array<i32>} : memref<256xf32, #tpu.memory_space<vmem>>, vector<16xf32>,
    %swap3A_23 = arith.constant 64 : index
    %swap3A_24 = tpu.vector_load %arg9[%swap3A_23] {strides = array<i32>} : memref<256xi32, #tpu.memory_space<vmem>>, vector<16xi32>,
    tpu.vector_store %arg9[%swap3A_23], %broadcast_in_dim3A_5 {strides = array<i32>} : memref<256xi32, #tpu.memory_space<vmem>>, vector<16xi32>,
    %swap3A_25 = arith.constant 80 : index
    %swap3A_26 = tpu.vector_load %arg8[%swap3A_25] {strides = array<i32>} : memref<256xf32, #tpu.memory_space<vmem>>, vector<16xf32>,
    tpu.vector_store %arg8[%swap3A_25], %broadcast_in_dim3A_3 {strides = array<i32>} : memref<256xf32, #tpu.memory_space<vmem>>, vector<16xf32>,
    %swap3A_27 = arith.constant 80 : index
    %swap3A_28 = tpu.vector_load %arg9[%swap3A_27] {strides = array<i32>} : memref<256xi32, #tpu.memory_space<vmem>>, vector<16xi32>,
    tpu.vector_store %arg9[%swap3A_27], %broadcast_in_dim3A_5 {strides = array<i32>} : memref<256xi32, #tpu.memory_space<vmem>>, vector<16xi32>,
    %swap3A_29 = arith.constant 96 : index
    %swap3A_30 = tpu.vector_load %arg8[%swap3A_29] {strides = array<i32>} : memref<256xf32, #tpu.memory_space<vmem>>, vector<16xf32>,
    tpu.vector_store %arg8[%swap3A_29], %broadcast_in_dim3A_3 {strides = array<i32>} : memref<256xf32, #tpu.memory_space<vmem>>, vector<16xf32>,
    %swap3A_31 = arith.constant 96 : index
    %swap3A_32 = tpu.vector_load %arg9[%swap3A_31] {strides = array<i32>} : memref<256xi32, #tpu.memory_space<vmem>>, vector<16xi32>,
    tpu.vector_store %arg9[%swap3A_31], %broadcast_in_dim3A_5 {strides = array<i32>} : memref<256xi32, #tpu.memory_space<vmem>>, vector<16xi32>,
    %swap3A_33 = arith.constant 112 : index
    %swap3A_34 = tpu.vector_load %arg8[%swap3A_33] {strides = array<i32>} : memref<256xf32, #tpu.memory_space<vmem>>, vector<16xf32>,
    tpu.vector_store %arg8[%swap3A_33], %broadcast_in_dim3A_3 {strides = array<i32>} : memref<256xf32, #tpu.memory_space<vmem>>, vector<16xf32>,
    %swap3A_35 = arith.constant 112 : index
    %swap3A_36 = tpu.vector_load %arg9[%swap3A_35] {strides = array<i32>} : memref<256xi32, #tpu.memory_space<vmem>>, vector<16xi32>,
    tpu.vector_store %arg9[%swap3A_35], %broadcast_in_dim3A_5 {strides = array<i32>} : memref<256xi32, #tpu.memory_space<vmem>>, vector<16xi32>,
    %swap3A_37 = arith.constant 128 : index
    %swap3A_38 = tpu.vector_load %arg8[%swap3A_37] {strides = array<i32>} : memref<256xf32, #tpu.memory_space<vmem>>, vector<16xf32>,
    tpu.vector_store %arg8[%swap3A_37], %broadcast_in_dim3A_3 {strides = array<i32>} : memref<256xf32, #tpu.memory_space<vmem>>, vector<16xf32>,
    %swap3A_39 = arith.constant 128 : index
    %swap3A_40 = tpu.vector_load %arg9[%swap3A_39] {strides = array<i32>} : memref<256xi32, #tpu.memory_space<vmem>>, vector<16xi32>,
    tpu.vector_store %arg9[%swap3A_39], %broadcast_in_dim3A_5 {strides = array<i32>} : memref<256xi32, #tpu.memory_space<vmem>>, vector<16xi32>,
    %swap3A_41 = arith.constant 144 : index
    %swap3A_42 = tpu.vector_load %arg8[%swap3A_41] {strides = array<i32>} : memref<256xf32, #tpu.memory_space<vmem>>, vector<16xf32>,
    tpu.vector_store %arg8[%swap3A_41], %broadcast_in_dim3A_3 {strides = array<i32>} : memref<256xf32, #tpu.memory_space<vmem>>, vector<16xf32>,
    %swap3A_43 = arith.constant 144 : index
    %swap3A_44 = tpu.vector_load %arg9[%swap3A_43] {strides = array<i32>} : memref<256xi32, #tpu.memory_space<vmem>>, vector<16xi32>,
    tpu.vector_store %arg9[%swap3A_43], %broadcast_in_dim3A_5 {strides = array<i32>} : memref<256xi32, #tpu.memory_space<vmem>>, vector<16xi32>,
    %swap3A_45 = arith.constant 160 : index
    %swap3A_46 = tpu.vector_load %arg8[%swap3A_45] {strides = array<i32>} : memref<256xf32, #tpu.memory_space<vmem>>, vector<16xf32>,
    tpu.vector_store %arg8[%swap3A_45], %broadcast_in_dim3A_3 {strides = array<i32>} : memref<256xf32, #tpu.memory_space<vmem>>, vector<16xf32>,
    %swap3A_47 = arith.constant 160 : index
    %swap3A_48 = tpu.vector_load %arg9[%swap3A_47] {strides = array<i32>} : memref<256xi32, #tpu.memory_space<vmem>>, vector<16xi32>,
    tpu.vector_store %arg9[%swap3A_47], %broadcast_in_dim3A_5 {strides = array<i32>} : memref<256xi32, #tpu.memory_space<vmem>>, vector<16xi32>,
    %swap3A_49 = arith.constant 176 : index
    %swap3A_50 = tpu.vector_load %arg8[%swap3A_49] {strides = array<i32>} : memref<256xf32, #tpu.memory_space<vmem>>, vector<16xf32>,
    tpu.vector_store %arg8[%swap3A_49], %broadcast_in_dim3A_3 {strides = array<i32>} : memref<256xf32, #tpu.memory_space<vmem>>, vector<16xf32>,
    %swap3A_51 = arith.constant 176 : index
    %swap3A_52 = tpu.vector_load %arg9[%swap3A_51] {strides = array<i32>} : memref<256xi32, #tpu.memory_space<vmem>>, vector<16xi32>,
    tpu.vector_store %arg9[%swap3A_51], %broadcast_in_dim3A_5 {strides = array<i32>} : memref<256xi32, #tpu.memory_space<vmem>>, vector<16xi32>,
    %swap3A_53 = arith.constant 192 : index
    %swap3A_54 = tpu.vector_load %arg8[%swap3A_53] {strides = array<i32>} : memref<256xf32, #tpu.memory_space<vmem>>, vector<16xf32>,
    tpu.vector_store %arg8[%swap3A_53], %broadcast_in_dim3A_3 {strides = array<i32>} : memref<256xf32, #tpu.memory_space<vmem>>, vector<16xf32>,
    %swap3A_55 = arith.constant 192 : index
    %swap3A_56 = tpu.vector_load %arg9[%swap3A_55] {strides = array<i32>} : memref<256xi32, #tpu.memory_space<vmem>>, vector<16xi32>,
    tpu.vector_store %arg9[%swap3A_55], %broadcast_in_dim3A_5 {strides = array<i32>} : memref<256xi32, #tpu.memory_space<vmem>>, vector<16xi32>,
    %swap3A_57 = arith.constant 208 : index
    %swap3A_58 = tpu.vector_load %arg8[%swap3A_57] {strides = array<i32>} : memref<256xf32, #tpu.memory_space<vmem>>, vector<16xf32>,
    tpu.vector_store %arg8[%swap3A_57], %broadcast_in_dim3A_3 {strides = array<i32>} : memref<256xf32, #tpu.memory_space<vmem>>, vector<16xf32>,
    %swap3A_59 = arith.constant 208 : index
    %swap3A_60 = tpu.vector_load %arg9[%swap3A_59] {strides = array<i32>} : memref<256xi32, #tpu.memory_space<vmem>>, vector<16xi32>,
    tpu.vector_store %arg9[%swap3A_59], %broadcast_in_dim3A_5 {strides = array<i32>} : memref<256xi32, #tpu.memory_space<vmem>>, vector<16xi32>,
    %swap3A_61 = arith.constant 224 : index
    %swap3A_62 = tpu.vector_load %arg8[%swap3A_61] {strides = array<i32>} : memref<256xf32, #tpu.memory_space<vmem>>, vector<16xf32>,
    tpu.vector_store %arg8[%swap3A_61], %broadcast_in_dim3A_3 {strides = array<i32>} : memref<256xf32, #tpu.memory_space<vmem>>, vector<16xf32>,
    %swap3A_63 = arith.constant 224 : index
    %swap3A_64 = tpu.vector_load %arg9[%swap3A_63] {strides = array<i32>} : memref<256xi32, #tpu.memory_space<vmem>>, vector<16xi32>,
    tpu.vector_store %arg9[%swap3A_63], %broadcast_in_dim3A_5 {strides = array<i32>} : memref<256xi32, #tpu.memory_space<vmem>>, vector<16xi32>,
    %swap3A_65 = arith.constant 240 : index
    %swap3A_66 = tpu.vector_load %arg8[%swap3A_65] {strides = array<i32>} : memref<256xf32, #tpu.memory_space<vmem>>, vector<16xf32>,
    tpu.vector_store %arg8[%swap3A_65], %broadcast_in_dim3A_3 {strides = array<i32>} : memref<256xf32, #tpu.memory_space<vmem>>, vector<16xf32>,
    %swap3A_67 = arith.constant 240 : index
    %swap3A_68 = tpu.vector_load %arg9[%swap3A_67] {strides = array<i32>} : memref<256xi32, #tpu.memory_space<vmem>>, vector<16xi32>,
    tpu.vector_store %arg9[%swap3A_67], %broadcast_in_dim3A_5 {strides = array<i32>} : memref<256xi32, #tpu.memory_space<vmem>>, vector<16xi32>,
    %iota3A = tpu.iota {dimensions = array<i32: 0>} : vector<16xi32>
    %add3A_69 = arith.constant 0 : i32
    %add3A_70 = arith.addi %mul3A_2, %add3A_69 : i32
    %dma_start3A = arith.constant 0 : i32
    %dma_start3A_71 = tpu.memref_slice %arg6[%dma_start3A] : memref<16384xf32, #tpu.memory_space<vmem>> -> memref<8192xf32, #tpu.memory_space<vmem>>
    %dma_start3A_72 = tpu.memref_slice %arg2[%add3A_70] : memref<16777216xf32, #tpu.memory_space<hbm>> -> memref<8192xf32, #tpu.memory_space<hbm>>
    %dma_start3A_73 = arith.constant 0 : i32
    %dma_start3A_74 = tpu.memref_slice %arg6[%dma_start3A_73] : memref<16384xf32, #tpu.memory_space<vmem>> -> memref<8192xf32, #tpu.memory_space<vmem>>
    %dma_start3A_75 = tpu.memref_slice %arg2[%add3A_70] : memref<16777216xf32, #tpu.memory_space<hbm>> -> memref<8192xf32, #tpu.memory_space<hbm>>
    tpu.enqueue_dma source(%dma_start3A_75 : memref<8192xf32, #tpu.memory_space<hbm>>) target(%dma_start3A_74 : memref<8192xf32, #tpu.memory_space<vmem>>) target_semaphore(%arg10 : memref<!tpu.dma_semaphore, #tpu.memory_space<semaphore_mem>>)
    %dma_start3A_76 = arith.constant 0 : i32
    %dma_start3A_77 = tpu.memref_slice %arg7[%dma_start3A_76] : memref<16384xi32, #tpu.memory_space<vmem>> -> memref<8192xi32, #tpu.memory_space<vmem>>
    %dma_start3A_78 = tpu.memref_slice %arg3[%add3A_70] : memref<16777216xi32, #tpu.memory_space<hbm>> -> memref<8192xi32, #tpu.memory_space<hbm>>
    %dma_start3A_79 = arith.constant 0 : i32
    %dma_start3A_80 = tpu.memref_slice %arg7[%dma_start3A_79] : memref<16384xi32, #tpu.memory_space<vmem>> -> memref<8192xi32, #tpu.memory_space<vmem>>
    %dma_start3A_81 = tpu.memref_slice %arg3[%add3A_70] : memref<16777216xi32, #tpu.memory_space<hbm>> -> memref<8192xi32, #tpu.memory_space<hbm>>
    tpu.enqueue_dma source(%dma_start3A_81 : memref<8192xi32, #tpu.memory_space<hbm>>) target(%dma_start3A_80 : memref<8192xi32, #tpu.memory_space<vmem>>) target_semaphore(%arg12 : memref<!tpu.dma_semaphore, #tpu.memory_space<semaphore_mem>>)
    %add3A_82 = arith.constant 8192 : i32
    %add3A_83 = arith.addi %mul3A_2, %add3A_82 : i32
    %dma_start3A_84 = arith.constant 8192 : i32
    %dma_start3A_85 = tpu.memref_slice %arg6[%dma_start3A_84] : memref<16384xf32, #tpu.memory_space<vmem>> -> memref<8192xf32, #tpu.memory_space<vmem>>
    %dma_start3A_86 = tpu.memref_slice %arg2[%add3A_83] : memref<16777216xf32, #tpu.memory_space<hbm>> -> memref<8192xf32, #tpu.memory_space<hbm>>
    %dma_start3A_87 = arith.constant 8192 : i32
    %dma_start3A_88 = tpu.memref_slice %arg6[%dma_start3A_87] : memref<16384xf32, #tpu.memory_space<vmem>> -> memref<8192xf32, #tpu.memory_space<vmem>>
    %dma_start3A_89 = tpu.memref_slice %arg2[%add3A_83] : memref<16777216xf32, #tpu.memory_space<hbm>> -> memref<8192xf32, #tpu.memory_space<hbm>>
    tpu.enqueue_dma source(%dma_start3A_89 : memref<8192xf32, #tpu.memory_space<hbm>>) target(%dma_start3A_88 : memref<8192xf32, #tpu.memory_space<vmem>>) target_semaphore(%arg11 : memref<!tpu.dma_semaphore, #tpu.memory_space<semaphore_mem>>)
    %dma_start3A_90 = arith.constant 8192 : i32
    %dma_start3A_91 = tpu.memref_slice %arg7[%dma_start3A_90] : memref<16384xi32, #tpu.memory_space<vmem>> -> memref<8192xi32, #tpu.memory_space<vmem>>
    %dma_start3A_92 = tpu.memref_slice %arg3[%add3A_83] : memref<16777216xi32, #tpu.memory_space<hbm>> -> memref<8192xi32, #tpu.memory_space<hbm>>
    %dma_start3A_93 = arith.constant 8192 : i32
    %dma_start3A_94 = tpu.memref_slice %arg7[%dma_start3A_93] : memref<16384xi32, #tpu.memory_space<vmem>> -> memref<8192xi32, #tpu.memory_space<vmem>>
    %dma_start3A_95 = tpu.memref_slice %arg3[%add3A_83] : memref<16777216xi32, #tpu.memory_space<hbm>> -> memref<8192xi32, #tpu.memory_space<hbm>>
    tpu.enqueue_dma source(%dma_start3A_95 : memref<8192xi32, #tpu.memory_space<hbm>>) target(%dma_start3A_94 : memref<8192xi32, #tpu.memory_space<vmem>>) target_semaphore(%arg13 : memref<!tpu.dma_semaphore, #tpu.memory_space<semaphore_mem>>)
    %scan3A = arith.constant 0 : i32
    %scan3A_96 = arith.constant 0 : i32
    %scan3A_97 = arith.constant 22 : i32
    %scan3A_98 = arith.addi %scan3A_96, %scan3A_97 : i32
    %scan3A_99 = arith.constant 1 : i32
    scf.for %scan3A_137 = %scan3A_96 to %scan3A_98 step %scan3A_99  : i32 {
      %mul3A_138 = arith.constant 2 : i32
      %mul3A_139 = arith.muli %scan3A_137, %mul3A_138 : i32
      %add3A_140 = arith.constant 0 : i32
      %add3A_141 = arith.addi %mul3A_139, %add3A_140 : i32
      %dma_wait3A_142 = arith.constant 0 : i32
      %dma_wait3A_143 = tpu.memref_slice %arg6[%dma_wait3A_142] : memref<16384xf32, #tpu.memory_space<vmem>> -> memref<8192xf32, #tpu.memory_space<vmem>>
      %dma_wait3A_144 = arith.constant 0 : i32
      %dma_wait3A_145 = tpu.memref_slice %arg2[%dma_wait3A_144] : memref<16777216xf32, #tpu.memory_space<hbm>> -> memref<8192xf32, #tpu.memory_space<hbm>>
      %dma_wait3A_146 = arith.constant 0 : i32
      %dma_wait3A_147 = tpu.memref_slice %arg6[%dma_wait3A_146] : memref<16384xf32, #tpu.memory_space<vmem>> -> memref<8192xf32, #tpu.memory_space<vmem>>
      %dma_wait3A_148 = arith.constant 0 : i32
      %dma_wait3A_149 = tpu.memref_slice %arg2[%dma_wait3A_148] : memref<16777216xf32, #tpu.memory_space<hbm>> -> memref<8192xf32, #tpu.memory_space<hbm>>
      tpu.wait_dma2 semaphore(%arg10 : memref<!tpu.dma_semaphore, #tpu.memory_space<semaphore_mem>>) src(%dma_wait3A_149 : memref<8192xf32, #tpu.memory_space<hbm>>) dst(%dma_wait3A_147 : memref<8192xf32, #tpu.memory_space<vmem>>)
      %dma_wait3A_150 = arith.constant 0 : i32
      %dma_wait3A_151 = tpu.memref_slice %arg7[%dma_wait3A_150] : memref<16384xi32, #tpu.memory_space<vmem>> -> memref<8192xi32, #tpu.memory_space<vmem>>
      %dma_wait3A_152 = arith.constant 0 : i32
      %dma_wait3A_153 = tpu.memref_slice %arg3[%dma_wait3A_152] : memref<16777216xi32, #tpu.memory_space<hbm>> -> memref<8192xi32, #tpu.memory_space<hbm>>
      %dma_wait3A_154 = arith.constant 0 : i32
      %dma_wait3A_155 = tpu.memref_slice %arg7[%dma_wait3A_154] : memref<16384xi32, #tpu.memory_space<vmem>> -> memref<8192xi32, #tpu.memory_space<vmem>>
      %dma_wait3A_156 = arith.constant 0 : i32
      %dma_wait3A_157 = tpu.memref_slice %arg3[%dma_wait3A_156] : memref<16777216xi32, #tpu.memory_space<hbm>> -> memref<8192xi32, #tpu.memory_space<hbm>>
      tpu.wait_dma2 semaphore(%arg12 : memref<!tpu.dma_semaphore, #tpu.memory_space<semaphore_mem>>) src(%dma_wait3A_157 : memref<8192xi32, #tpu.memory_space<hbm>>) dst(%dma_wait3A_155 : memref<8192xi32, #tpu.memory_space<vmem>>)
      %parallel_loop3A_158 = arith.constant 0 : i32
      %parallel_loop3A_159 = arith.constant 8192 : i32
      %parallel_loop3A_160 = arith.constant 16 : i32
      scf.for %parallel_loop3A_218 = %parallel_loop3A_158 to %parallel_loop3A_159 step %parallel_loop3A_160  : i32 {
        %parallel_loop3A_219 = arith.constant 0 : i32
        %parallel_loop3A_220 = arith.addi %parallel_loop3A_219, %parallel_loop3A_218 : i32
        %parallel_loop3A_221 = arith.index_cast %parallel_loop3A_220 : i32 to index
        %parallel_loop3A_222 = tpu.vector_load %arg6[%parallel_loop3A_221] {strides = array<i32>} : memref<16384xf32, #tpu.memory_space<vmem>>, vector<16xf32>,
        %parallel_loop3A_223 = arith.constant 0 : i32
        %parallel_loop3A_224 = arith.addi %parallel_loop3A_223, %parallel_loop3A_218 : i32
        %parallel_loop3A_225 = arith.index_cast %parallel_loop3A_224 : i32 to index
        %parallel_loop3A_226 = tpu.vector_load %arg7[%parallel_loop3A_225] {strides = array<i32>} : memref<16384xi32, #tpu.memory_space<vmem>>, vector<16xi32>,
        %parallel_loop3A_227 = arith.constant 1.500000e+01 : f32
        %parallel_loop3A_228 = vector.broadcast %parallel_loop3A_227 : f32 to vector<16xf32>
        %parallel_loop3A_229 = arith.mulf %parallel_loop3A_222, %parallel_loop3A_228 : vector<16xf32>
        %parallel_loop3A_230 = arith.fptosi %parallel_loop3A_229 : vector<16xf32> to vector<16xi32>
        %parallel_loop3A_231 = arith.constant 16 : i32
        %parallel_loop3A_232 = vector.broadcast %parallel_loop3A_231 : i32 to vector<16xi32>
        %parallel_loop3A_233 = arith.muli %parallel_loop3A_230, %parallel_loop3A_232 : vector<16xi32>
        %parallel_loop3A_234 = arith.addi %parallel_loop3A_233, %iota3A : vector<16xi32>
        %parallel_loop3A_235 = arith.constant 0.000000e+00 : f32
        %parallel_loop3A_236 = vector.broadcast %parallel_loop3A_235 : f32 to vector<16xf32>
        %parallel_loop3A_237 = arith.cmpf ogt, %parallel_loop3A_222, %parallel_loop3A_236 : vector<16xf32>
        tpu.vector_store_idx %arg8[%parallel_loop3A_234], %parallel_loop3A_222 masked %parallel_loop3A_237 {add = true} : memref<256xf32, #tpu.memory_space<vmem>>[vector<16xi32>], vector<16xf32>, vector<16xi1>
        %parallel_loop3A_238 = arith.constant 16 : i32
        %parallel_loop3A_239 = vector.broadcast %parallel_loop3A_238 : i32 to vector<16xi32>
        %parallel_loop3A_240 = arith.shli %parallel_loop3A_226, %parallel_loop3A_239 : vector<16xi32>
        %parallel_loop3A_241 = arith.constant 1 : i32
        %parallel_loop3A_242 = vector.broadcast %parallel_loop3A_241 : i32 to vector<16xi32>
        %parallel_loop3A_243 = arith.ori %parallel_loop3A_240, %parallel_loop3A_242 : vector<16xi32>
        tpu.vector_store_idx %arg9[%parallel_loop3A_234], %parallel_loop3A_243 masked %parallel_loop3A_237 {add = true} : memref<256xi32, #tpu.memory_space<vmem>>[vector<16xi32>], vector<16xi32>, vector<16xi1>
      } {sc.loop_unroll_factor = 4 : i64, sc.parallel_access}
      %add3A_161 = arith.constant 2 : i32
      %add3A_162 = arith.addi %add3A_141, %add3A_161 : i32
      %mul3A_163 = arith.constant 8192 : i32
      %mul3A_164 = arith.muli %add3A_162, %mul3A_163 : i32
      %add3A_165 = arith.addi %mul3A_2, %mul3A_164 : i32
      %dma_start3A_166 = arith.constant 0 : i32
      %dma_start3A_167 = tpu.memref_slice %arg6[%dma_start3A_166] : memref<16384xf32, #tpu.memory_space<vmem>> -> memref<8192xf32, #tpu.memory_space<vmem>>
      %dma_start3A_168 = tpu.memref_slice %arg2[%add3A_165] : memref<16777216xf32, #tpu.memory_space<hbm>> -> memref<8192xf32, #tpu.memory_space<hbm>>
      %dma_start3A_169 = arith.constant 0 : i32
      %dma_start3A_170 = tpu.memref_slice %arg6[%dma_start3A_169] : memref<16384xf32, #tpu.memory_space<vmem>> -> memref<8192xf32, #tpu.memory_space<vmem>>
      %dma_start3A_171 = tpu.memref_slice %arg2[%add3A_165] : memref<16777216xf32, #tpu.memory_space<hbm>> -> memref<8192xf32, #tpu.memory_space<hbm>>
      tpu.enqueue_dma source(%dma_start3A_171 : memref<8192xf32, #tpu.memory_space<hbm>>) target(%dma_start3A_170 : memref<8192xf32, #tpu.memory_space<vmem>>) target_semaphore(%arg10 : memref<!tpu.dma_semaphore, #tpu.memory_space<semaphore_mem>>)
      %dma_start3A_172 = arith.constant 0 : i32
      %dma_start3A_173 = tpu.memref_slice %arg7[%dma_start3A_172] : memref<16384xi32, #tpu.memory_space<vmem>> -> memref<8192xi32, #tpu.memory_space<vmem>>
      %dma_start3A_174 = tpu.memref_slice %arg3[%add3A_165] : memref<16777216xi32, #tpu.memory_space<hbm>> -> memref<8192xi32, #tpu.memory_space<hbm>>
      %dma_start3A_175 = arith.constant 0 : i32
      %dma_start3A_176 = tpu.memref_slice %arg7[%dma_start3A_175] : memref<16384xi32, #tpu.memory_space<vmem>> -> memref<8192xi32, #tpu.memory_space<vmem>>
      %dma_start3A_177 = tpu.memref_slice %arg3[%add3A_165] : memref<16777216xi32, #tpu.memory_space<hbm>> -> memref<8192xi32, #tpu.memory_space<hbm>>
      tpu.enqueue_dma source(%dma_start3A_177 : memref<8192xi32, #tpu.memory_space<hbm>>) target(%dma_start3A_176 : memref<8192xi32, #tpu.memory_space<vmem>>) target_semaphore(%arg12 : memref<!tpu.dma_semaphore, #tpu.memory_space<semaphore_mem>>)
      %mul3A_178 = arith.constant 2 : i32
      %mul3A_179 = arith.muli %scan3A_137, %mul3A_178 : i32
      %add3A_180 = arith.constant 1 : i32
      %add3A_181 = arith.addi %mul3A_179, %add3A_180 : i32
      %dma_wait3A_182 = arith.constant 8192 : i32
      %dma_wait3A_183 = tpu.memref_slice %arg6[%dma_wait3A_182] : memref<16384xf32, #tpu.memory_space<vmem>> -> memref<8192xf32, #tpu.memory_space<vmem>>
      %dma_wait3A_184 = arith.constant 0 : i32
      %dma_wait3A_185 = tpu.memref_slice %arg2[%dma_wait3A_184] : memref<16777216xf32, #tpu.memory_space<hbm>> -> memref<8192xf32, #tpu.memory_space<hbm>>
      %dma_wait3A_186 = arith.constant 8192 : i32
      %dma_wait3A_187 = tpu.memref_slice %arg6[%dma_wait3A_186] : memref<16384xf32, #tpu.memory_space<vmem>> -> memref<8192xf32, #tpu.memory_space<vmem>>
      %dma_wait3A_188 = arith.constant 0 : i32
      %dma_wait3A_189 = tpu.memref_slice %arg2[%dma_wait3A_188] : memref<16777216xf32, #tpu.memory_space<hbm>> -> memref<8192xf32, #tpu.memory_space<hbm>>
      tpu.wait_dma2 semaphore(%arg11 : memref<!tpu.dma_semaphore, #tpu.memory_space<semaphore_mem>>) src(%dma_wait3A_189 : memref<8192xf32, #tpu.memory_space<hbm>>) dst(%dma_wait3A_187 : memref<8192xf32, #tpu.memory_space<vmem>>)
      %dma_wait3A_190 = arith.constant 8192 : i32
      %dma_wait3A_191 = tpu.memref_slice %arg7[%dma_wait3A_190] : memref<16384xi32, #tpu.memory_space<vmem>> -> memref<8192xi32, #tpu.memory_space<vmem>>
      %dma_wait3A_192 = arith.constant 0 : i32
      %dma_wait3A_193 = tpu.memref_slice %arg3[%dma_wait3A_192] : memref<16777216xi32, #tpu.memory_space<hbm>> -> memref<8192xi32, #tpu.memory_space<hbm>>
      %dma_wait3A_194 = arith.constant 8192 : i32
      %dma_wait3A_195 = tpu.memref_slice %arg7[%dma_wait3A_194] : memref<16384xi32, #tpu.memory_space<vmem>> -> memref<8192xi32, #tpu.memory_space<vmem>>
      %dma_wait3A_196 = arith.constant 0 : i32
      %dma_wait3A_197 = tpu.memref_slice %arg3[%dma_wait3A_196] : memref<16777216xi32, #tpu.memory_space<hbm>> -> memref<8192xi32, #tpu.memory_space<hbm>>
      tpu.wait_dma2 semaphore(%arg13 : memref<!tpu.dma_semaphore, #tpu.memory_space<semaphore_mem>>) src(%dma_wait3A_197 : memref<8192xi32, #tpu.memory_space<hbm>>) dst(%dma_wait3A_195 : memref<8192xi32, #tpu.memory_space<vmem>>)
      %parallel_loop3A_198 = arith.constant 0 : i32
      %parallel_loop3A_199 = arith.constant 8192 : i32
      %parallel_loop3A_200 = arith.constant 16 : i32
      scf.for %parallel_loop3A_218 = %parallel_loop3A_198 to %parallel_loop3A_199 step %parallel_loop3A_200  : i32 {
        %parallel_loop3A_219 = arith.constant 8192 : i32
        %parallel_loop3A_220 = arith.addi %parallel_loop3A_219, %parallel_loop3A_218 : i32
        %parallel_loop3A_221 = arith.index_cast %parallel_loop3A_220 : i32 to index
        %parallel_loop3A_222 = tpu.vector_load %arg6[%parallel_loop3A_221] {strides = array<i32>} : memref<16384xf32, #tpu.memory_space<vmem>>, vector<16xf32>,
        %parallel_loop3A_223 = arith.constant 8192 : i32
        %parallel_loop3A_224 = arith.addi %parallel_loop3A_223, %parallel_loop3A_218 : i32
        %parallel_loop3A_225 = arith.index_cast %parallel_loop3A_224 : i32 to index
        %parallel_loop3A_226 = tpu.vector_load %arg7[%parallel_loop3A_225] {strides = array<i32>} : memref<16384xi32, #tpu.memory_space<vmem>>, vector<16xi32>,
        %parallel_loop3A_227 = arith.constant 1.500000e+01 : f32
        %parallel_loop3A_228 = vector.broadcast %parallel_loop3A_227 : f32 to vector<16xf32>
        %parallel_loop3A_229 = arith.mulf %parallel_loop3A_222, %parallel_loop3A_228 : vector<16xf32>
        %parallel_loop3A_230 = arith.fptosi %parallel_loop3A_229 : vector<16xf32> to vector<16xi32>
        %parallel_loop3A_231 = arith.constant 16 : i32
        %parallel_loop3A_232 = vector.broadcast %parallel_loop3A_231 : i32 to vector<16xi32>
        %parallel_loop3A_233 = arith.muli %parallel_loop3A_230, %parallel_loop3A_232 : vector<16xi32>
        %parallel_loop3A_234 = arith.addi %parallel_loop3A_233, %iota3A : vector<16xi32>
        %parallel_loop3A_235 = arith.constant 0.000000e+00 : f32
        %parallel_loop3A_236 = vector.broadcast %parallel_loop3A_235 : f32 to vector<16xf32>
        %parallel_loop3A_237 = arith.cmpf ogt, %parallel_loop3A_222, %parallel_loop3A_236 : vector<16xf32>
        tpu.vector_store_idx %arg8[%parallel_loop3A_234], %parallel_loop3A_222 masked %parallel_loop3A_237 {add = true} : memref<256xf32, #tpu.memory_space<vmem>>[vector<16xi32>], vector<16xf32>, vector<16xi1>
        %parallel_loop3A_238 = arith.constant 16 : i32
        %parallel_loop3A_239 = vector.broadcast %parallel_loop3A_238 : i32 to vector<16xi32>
        %parallel_loop3A_240 = arith.shli %parallel_loop3A_226, %parallel_loop3A_239 : vector<16xi32>
        %parallel_loop3A_241 = arith.constant 1 : i32
        %parallel_loop3A_242 = vector.broadcast %parallel_loop3A_241 : i32 to vector<16xi32>
        %parallel_loop3A_243 = arith.ori %parallel_loop3A_240, %parallel_loop3A_242 : vector<16xi32>
        tpu.vector_store_idx %arg9[%parallel_loop3A_234], %parallel_loop3A_243 masked %parallel_loop3A_237 {add = true} : memref<256xi32, #tpu.memory_space<vmem>>[vector<16xi32>], vector<16xi32>, vector<16xi1>
      } {sc.loop_unroll_factor = 4 : i64, sc.parallel_access}
      %add3A_201 = arith.constant 2 : i32
      %add3A_202 = arith.addi %add3A_181, %add3A_201 : i32
      %mul3A_203 = arith.constant 8192 : i32
      %mul3A_204 = arith.muli %add3A_202, %mul3A_203 : i32
      %add3A_205 = arith.addi %mul3A_2, %mul3A_204 : i32
      %dma_start3A_206 = arith.constant 8192 : i32
      %dma_start3A_207 = tpu.memref_slice %arg6[%dma_start3A_206] : memref<16384xf32, #tpu.memory_space<vmem>> -> memref<8192xf32, #tpu.memory_space<vmem>>
      %dma_start3A_208 = tpu.memref_slice %arg2[%add3A_205] : memref<16777216xf32, #tpu.memory_space<hbm>> -> memref<8192xf32, #tpu.memory_space<hbm>>
      %dma_start3A_209 = arith.constant 8192 : i32
      %dma_start3A_210 = tpu.memref_slice %arg6[%dma_start3A_209] : memref<16384xf32, #tpu.memory_space<vmem>> -> memref<8192xf32, #tpu.memory_space<vmem>>
      %dma_start3A_211 = tpu.memref_slice %arg2[%add3A_205] : memref<16777216xf32, #tpu.memory_space<hbm>> -> memref<8192xf32, #tpu.memory_space<hbm>>
      tpu.enqueue_dma source(%dma_start3A_211 : memref<8192xf32, #tpu.memory_space<hbm>>) target(%dma_start3A_210 : memref<8192xf32, #tpu.memory_space<vmem>>) target_semaphore(%arg11 : memref<!tpu.dma_semaphore, #tpu.memory_space<semaphore_mem>>)
      %dma_start3A_212 = arith.constant 8192 : i32
      %dma_start3A_213 = tpu.memref_slice %arg7[%dma_start3A_212] : memref<16384xi32, #tpu.memory_space<vmem>> -> memref<8192xi32, #tpu.memory_space<vmem>>
      %dma_start3A_214 = tpu.memref_slice %arg3[%add3A_205] : memref<16777216xi32, #tpu.memory_space<hbm>> -> memref<8192xi32, #tpu.memory_space<hbm>>
      %dma_start3A_215 = arith.constant 8192 : i32
      %dma_start3A_216 = tpu.memref_slice %arg7[%dma_start3A_215] : memref<16384xi32, #tpu.memory_space<vmem>> -> memref<8192xi32, #tpu.memory_space<vmem>>
      %dma_start3A_217 = tpu.memref_slice %arg3[%add3A_205] : memref<16777216xi32, #tpu.memory_space<hbm>> -> memref<8192xi32, #tpu.memory_space<hbm>>
      tpu.enqueue_dma source(%dma_start3A_217 : memref<8192xi32, #tpu.memory_space<hbm>>) target(%dma_start3A_216 : memref<8192xi32, #tpu.memory_space<vmem>>) target_semaphore(%arg13 : memref<!tpu.dma_semaphore, #tpu.memory_space<semaphore_mem>>)
    }
    %scan3A_100 = arith.constant 22 : i32
    %dma_wait3A = arith.constant 0 : i32
    %dma_wait3A_101 = tpu.memref_slice %arg6[%dma_wait3A] : memref<16384xf32, #tpu.memory_space<vmem>> -> memref<8192xf32, #tpu.memory_space<vmem>>
    %dma_wait3A_102 = arith.constant 0 : i32
    %dma_wait3A_103 = tpu.memref_slice %arg2[%dma_wait3A_102] : memref<16777216xf32, #tpu.memory_space<hbm>> -> memref<8192xf32, #tpu.memory_space<hbm>>
    %dma_wait3A_104 = arith.constant 0 : i32
    %dma_wait3A_105 = tpu.memref_slice %arg6[%dma_wait3A_104] : memref<16384xf32, #tpu.memory_space<vmem>> -> memref<8192xf32, #tpu.memory_space<vmem>>
    %dma_wait3A_106 = arith.constant 0 : i32
    %dma_wait3A_107 = tpu.memref_slice %arg2[%dma_wait3A_106] : memref<16777216xf32, #tpu.memory_space<hbm>> -> memref<8192xf32, #tpu.memory_space<hbm>>
    tpu.wait_dma2 semaphore(%arg10 : memref<!tpu.dma_semaphore, #tpu.memory_space<semaphore_mem>>) src(%dma_wait3A_107 : memref<8192xf32, #tpu.memory_space<hbm>>) dst(%dma_wait3A_105 : memref<8192xf32, #tpu.memory_space<vmem>>)
    %dma_wait3A_108 = arith.constant 0 : i32
    %dma_wait3A_109 = tpu.memref_slice %arg7[%dma_wait3A_108] : memref<16384xi32, #tpu.memory_space<vmem>> -> memref<8192xi32, #tpu.memory_space<vmem>>
    %dma_wait3A_110 = arith.constant 0 : i32
    %dma_wait3A_111 = tpu.memref_slice %arg3[%dma_wait3A_110] : memref<16777216xi32, #tpu.memory_space<hbm>> -> memref<8192xi32, #tpu.memory_space<hbm>>
    %dma_wait3A_112 = arith.constant 0 : i32
    %dma_wait3A_113 = tpu.memref_slice %arg7[%dma_wait3A_112] : memref<16384xi32, #tpu.memory_space<vmem>> -> memref<8192xi32, #tpu.memory_space<vmem>>
    %dma_wait3A_114 = arith.constant 0 : i32
    %dma_wait3A_115 = tpu.memref_slice %arg3[%dma_wait3A_114] : memref<16777216xi32, #tpu.memory_space<hbm>> -> memref<8192xi32, #tpu.memory_space<hbm>>
    tpu.wait_dma2 semaphore(%arg12 : memref<!tpu.dma_semaphore, #tpu.memory_space<semaphore_mem>>) src(%dma_wait3A_115 : memref<8192xi32, #tpu.memory_space<hbm>>) dst(%dma_wait3A_113 : memref<8192xi32, #tpu.memory_space<vmem>>)
    %parallel_loop3A = arith.constant 0 : i32
    %parallel_loop3A_116 = arith.constant 8192 : i32
    %parallel_loop3A_117 = arith.constant 16 : i32
    scf.for %parallel_loop3A_137 = %parallel_loop3A to %parallel_loop3A_116 step %parallel_loop3A_117  : i32 {
      %parallel_loop3A_138 = arith.constant 0 : i32
      %parallel_loop3A_139 = arith.addi %parallel_loop3A_138, %parallel_loop3A_137 : i32
      %parallel_loop3A_140 = arith.index_cast %parallel_loop3A_139 : i32 to index
      %parallel_loop3A_141 = tpu.vector_load %arg6[%parallel_loop3A_140] {strides = array<i32>} : memref<16384xf32, #tpu.memory_space<vmem>>, vector<16xf32>,
      %parallel_loop3A_142 = arith.constant 0 : i32
      %parallel_loop3A_143 = arith.addi %parallel_loop3A_142, %parallel_loop3A_137 : i32
      %parallel_loop3A_144 = arith.index_cast %parallel_loop3A_143 : i32 to index
      %parallel_loop3A_145 = tpu.vector_load %arg7[%parallel_loop3A_144] {strides = array<i32>} : memref<16384xi32, #tpu.memory_space<vmem>>, vector<16xi32>,
      %parallel_loop3A_146 = arith.constant 1.500000e+01 : f32
      %parallel_loop3A_147 = vector.broadcast %parallel_loop3A_146 : f32 to vector<16xf32>
      %parallel_loop3A_148 = arith.mulf %parallel_loop3A_141, %parallel_loop3A_147 : vector<16xf32>
      %parallel_loop3A_149 = arith.fptosi %parallel_loop3A_148 : vector<16xf32> to vector<16xi32>
      %parallel_loop3A_150 = arith.constant 16 : i32
      %parallel_loop3A_151 = vector.broadcast %parallel_loop3A_150 : i32 to vector<16xi32>
      %parallel_loop3A_152 = arith.muli %parallel_loop3A_149, %parallel_loop3A_151 : vector<16xi32>
      %parallel_loop3A_153 = arith.addi %parallel_loop3A_152, %iota3A : vector<16xi32>
      %parallel_loop3A_154 = arith.constant 0.000000e+00 : f32
      %parallel_loop3A_155 = vector.broadcast %parallel_loop3A_154 : f32 to vector<16xf32>
      %parallel_loop3A_156 = arith.cmpf ogt, %parallel_loop3A_141, %parallel_loop3A_155 : vector<16xf32>
      tpu.vector_store_idx %arg8[%parallel_loop3A_153], %parallel_loop3A_141 masked %parallel_loop3A_156 {add = true} : memref<256xf32, #tpu.memory_space<vmem>>[vector<16xi32>], vector<16xf32>, vector<16xi1>
      %parallel_loop3A_157 = arith.constant 16 : i32
      %parallel_loop3A_158 = vector.broadcast %parallel_loop3A_157 : i32 to vector<16xi32>
      %parallel_loop3A_159 = arith.shli %parallel_loop3A_145, %parallel_loop3A_158 : vector<16xi32>
      %parallel_loop3A_160 = arith.constant 1 : i32
      %parallel_loop3A_161 = vector.broadcast %parallel_loop3A_160 : i32 to vector<16xi32>
      %parallel_loop3A_162 = arith.ori %parallel_loop3A_159, %parallel_loop3A_161 : vector<16xi32>
      tpu.vector_store_idx %arg9[%parallel_loop3A_153], %parallel_loop3A_162 masked %parallel_loop3A_156 {add = true} : memref<256xi32, #tpu.memory_space<vmem>>[vector<16xi32>], vector<16xi32>, vector<16xi1>
    } {sc.loop_unroll_factor = 4 : i64, sc.parallel_access}
    %dma_wait3A_118 = arith.constant 8192 : i32
    %dma_wait3A_119 = tpu.memref_slice %arg6[%dma_wait3A_118] : memref<16384xf32, #tpu.memory_space<vmem>> -> memref<8192xf32, #tpu.memory_space<vmem>>
    %dma_wait3A_120 = arith.constant 0 : i32
    %dma_wait3A_121 = tpu.memref_slice %arg2[%dma_wait3A_120] : memref<16777216xf32, #tpu.memory_space<hbm>> -> memref<8192xf32, #tpu.memory_space<hbm>>
    %dma_wait3A_122 = arith.constant 8192 : i32
    %dma_wait3A_123 = tpu.memref_slice %arg6[%dma_wait3A_122] : memref<16384xf32, #tpu.memory_space<vmem>> -> memref<8192xf32, #tpu.memory_space<vmem>>
    %dma_wait3A_124 = arith.constant 0 : i32
    %dma_wait3A_125 = tpu.memref_slice %arg2[%dma_wait3A_124] : memref<16777216xf32, #tpu.memory_space<hbm>> -> memref<8192xf32, #tpu.memory_space<hbm>>
    tpu.wait_dma2 semaphore(%arg11 : memref<!tpu.dma_semaphore, #tpu.memory_space<semaphore_mem>>) src(%dma_wait3A_125 : memref<8192xf32, #tpu.memory_space<hbm>>) dst(%dma_wait3A_123 : memref<8192xf32, #tpu.memory_space<vmem>>)
    %dma_wait3A_126 = arith.constant 8192 : i32
    %dma_wait3A_127 = tpu.memref_slice %arg7[%dma_wait3A_126] : memref<16384xi32, #tpu.memory_space<vmem>> -> memref<8192xi32, #tpu.memory_space<vmem>>
    %dma_wait3A_128 = arith.constant 0 : i32
    %dma_wait3A_129 = tpu.memref_slice %arg3[%dma_wait3A_128] : memref<16777216xi32, #tpu.memory_space<hbm>> -> memref<8192xi32, #tpu.memory_space<hbm>>
    %dma_wait3A_130 = arith.constant 8192 : i32
    %dma_wait3A_131 = tpu.memref_slice %arg7[%dma_wait3A_130] : memref<16384xi32, #tpu.memory_space<vmem>> -> memref<8192xi32, #tpu.memory_space<vmem>>
    %dma_wait3A_132 = arith.constant 0 : i32
    %dma_wait3A_133 = tpu.memref_slice %arg3[%dma_wait3A_132] : memref<16777216xi32, #tpu.memory_space<hbm>> -> memref<8192xi32, #tpu.memory_space<hbm>>
    tpu.wait_dma2 semaphore(%arg13 : memref<!tpu.dma_semaphore, #tpu.memory_space<semaphore_mem>>) src(%dma_wait3A_133 : memref<8192xi32, #tpu.memory_space<hbm>>) dst(%dma_wait3A_131 : memref<8192xi32, #tpu.memory_space<vmem>>)
    %parallel_loop3A_134 = arith.constant 0 : i32
    %parallel_loop3A_135 = arith.constant 8192 : i32
    %parallel_loop3A_136 = arith.constant 16 : i32
    scf.for %parallel_loop3A_137 = %parallel_loop3A_134 to %parallel_loop3A_135 step %parallel_loop3A_136  : i32 {
      %parallel_loop3A_138 = arith.constant 8192 : i32
      %parallel_loop3A_139 = arith.addi %parallel_loop3A_138, %parallel_loop3A_137 : i32
      %parallel_loop3A_140 = arith.index_cast %parallel_loop3A_139 : i32 to index
      %parallel_loop3A_141 = tpu.vector_load %arg6[%parallel_loop3A_140] {strides = array<i32>} : memref<16384xf32, #tpu.memory_space<vmem>>, vector<16xf32>,
      %parallel_loop3A_142 = arith.constant 8192 : i32
      %parallel_loop3A_143 = arith.addi %parallel_loop3A_142, %parallel_loop3A_137 : i32
      %parallel_loop3A_144 = arith.index_cast %parallel_loop3A_143 : i32 to index
      %parallel_loop3A_145 = tpu.vector_load %arg7[%parallel_loop3A_144] {strides = array<i32>} : memref<16384xi32, #tpu.memory_space<vmem>>, vector<16xi32>,
      %parallel_loop3A_146 = arith.constant 1.500000e+01 : f32
      %parallel_loop3A_147 = vector.broadcast %parallel_loop3A_146 : f32 to vector<16xf32>
      %parallel_loop3A_148 = arith.mulf %parallel_loop3A_141, %parallel_loop3A_147 : vector<16xf32>
      %parallel_loop3A_149 = arith.fptosi %parallel_loop3A_148 : vector<16xf32> to vector<16xi32>
      %parallel_loop3A_150 = arith.constant 16 : i32
      %parallel_loop3A_151 = vector.broadcast %parallel_loop3A_150 : i32 to vector<16xi32>
      %parallel_loop3A_152 = arith.muli %parallel_loop3A_149, %parallel_loop3A_151 : vector<16xi32>
      %parallel_loop3A_153 = arith.addi %parallel_loop3A_152, %iota3A : vector<16xi32>
      %parallel_loop3A_154 = arith.constant 0.000000e+00 : f32
      %parallel_loop3A_155 = vector.broadcast %parallel_loop3A_154 : f32 to vector<16xf32>
      %parallel_loop3A_156 = arith.cmpf ogt, %parallel_loop3A_141, %parallel_loop3A_155 : vector<16xf32>
      tpu.vector_store_idx %arg8[%parallel_loop3A_153], %parallel_loop3A_141 masked %parallel_loop3A_156 {add = true} : memref<256xf32, #tpu.memory_space<vmem>>[vector<16xi32>], vector<16xf32>, vector<16xi1>
      %parallel_loop3A_157 = arith.constant 16 : i32
      %parallel_loop3A_158 = vector.broadcast %parallel_loop3A_157 : i32 to vector<16xi32>
      %parallel_loop3A_159 = arith.shli %parallel_loop3A_145, %parallel_loop3A_158 : vector<16xi32>
      %parallel_loop3A_160 = arith.constant 1 : i32
      %parallel_loop3A_161 = vector.broadcast %parallel_loop3A_160 : i32 to vector<16xi32>
      %parallel_loop3A_162 = arith.ori %parallel_loop3A_159, %parallel_loop3A_161 : vector<16xi32>
      tpu.vector_store_idx %arg9[%parallel_loop3A_153], %parallel_loop3A_162 masked %parallel_loop3A_156 {add = true} : memref<256xi32, #tpu.memory_space<vmem>>[vector<16xi32>], vector<16xi32>, vector<16xi1>
    } {sc.loop_unroll_factor = 4 : i64, sc.parallel_access}
    "tpu.region"() ({
      %run_scoped3A = tpu.sem_alloc : memref<!tpu.dma_semaphore, #tpu.memory_space<semaphore_mem>>
      %dma_start3A_137 = arith.constant 0 : i32
      %dma_start3A_138 = tpu.memref_slice %arg4[%add3A, %dma_start3A_137] : memref<32x256xf32, #tpu.memory_space<hbm>> -> memref<1x256xf32, #tpu.memory_space<hbm>>
      %dma_start3A_139 = tpu.memref_squeeze %dma_start3A_138 : memref<1x256xf32, #tpu.memory_space<hbm>> -> memref<256xf32, #tpu.memory_space<hbm>>
      %dma_start3A_140 = arith.constant 0 : i32
      %dma_start3A_141 = tpu.memref_slice %arg4[%add3A, %dma_start3A_140] : memref<32x256xf32, #tpu.memory_space<hbm>> -> memref<1x256xf32, #tpu.memory_space<hbm>>
      %dma_start3A_142 = tpu.memref_squeeze %dma_start3A_141 : memref<1x256xf32, #tpu.memory_space<hbm>> -> memref<256xf32, #tpu.memory_space<hbm>>
      tpu.enqueue_dma source(%arg8 : memref<256xf32, #tpu.memory_space<vmem>>) target(%dma_start3A_142 : memref<256xf32, #tpu.memory_space<hbm>>) target_semaphore(%run_scoped3A : memref<!tpu.dma_semaphore, #tpu.memory_space<semaphore_mem>>)
      %dma_wait3A_143 = arith.constant 0 : i32
      %dma_wait3A_144 = tpu.memref_slice %arg4[%add3A, %dma_wait3A_143] : memref<32x256xf32, #tpu.memory_space<hbm>> -> memref<1x256xf32, #tpu.memory_space<hbm>>
      %dma_wait3A_145 = tpu.memref_squeeze %dma_wait3A_144 : memref<1x256xf32, #tpu.memory_space<hbm>> -> memref<256xf32, #tpu.memory_space<hbm>>
      %dma_wait3A_146 = arith.constant 0 : i32
      %dma_wait3A_147 = tpu.memref_slice %arg4[%add3A, %dma_wait3A_146] : memref<32x256xf32, #tpu.memory_space<hbm>> -> memref<1x256xf32, #tpu.memory_space<hbm>>
      %dma_wait3A_148 = tpu.memref_squeeze %dma_wait3A_147 : memref<1x256xf32, #tpu.memory_space<hbm>> -> memref<256xf32, #tpu.memory_space<hbm>>
      tpu.wait_dma2 semaphore(%run_scoped3A : memref<!tpu.dma_semaphore, #tpu.memory_space<semaphore_mem>>) src(%arg8 : memref<256xf32, #tpu.memory_space<vmem>>) dst(%dma_wait3A_148 : memref<256xf32, #tpu.memory_space<hbm>>)
      tpu.yield
    }) : () -> ()
    "tpu.region"() ({
      %run_scoped3A = tpu.sem_alloc : memref<!tpu.dma_semaphore, #tpu.memory_space<semaphore_mem>>
      %dma_start3A_137 = arith.constant 0 : i32
      %dma_start3A_138 = tpu.memref_slice %arg5[%add3A, %dma_start3A_137] : memref<32x256xi32, #tpu.memory_space<hbm>> -> memref<1x256xi32, #tpu.memory_space<hbm>>
      %dma_start3A_139 = tpu.memref_squeeze %dma_start3A_138 : memref<1x256xi32, #tpu.memory_space<hbm>> -> memref<256xi32, #tpu.memory_space<hbm>>
      %dma_start3A_140 = arith.constant 0 : i32
      %dma_start3A_141 = tpu.memref_slice %arg5[%add3A, %dma_start3A_140] : memref<32x256xi32, #tpu.memory_space<hbm>> -> memref<1x256xi32, #tpu.memory_space<hbm>>
      %dma_start3A_142 = tpu.memref_squeeze %dma_start3A_141 : memref<1x256xi32, #tpu.memory_space<hbm>> -> memref<256xi32, #tpu.memory_space<hbm>>
      tpu.enqueue_dma source(%arg9 : memref<256xi32, #tpu.memory_space<vmem>>) target(%dma_start3A_142 : memref<256xi32, #tpu.memory_space<hbm>>) target_semaphore(%run_scoped3A : memref<!tpu.dma_semaphore, #tpu.memory_space<semaphore_mem>>)
      %dma_wait3A_143 = arith.constant 0 : i32
      %dma_wait3A_144 = tpu.memref_slice %arg5[%add3A, %dma_wait3A_143] : memref<32x256xi32, #tpu.memory_space<hbm>> -> memref<1x256xi32, #tpu.memory_space<hbm>>
      %dma_wait3A_145 = tpu.memref_squeeze %dma_wait3A_144 : memref<1x256xi32, #tpu.memory_space<hbm>> -> memref<256xi32, #tpu.memory_space<hbm>>
      %dma_wait3A_146 = arith.constant 0 : i32
      %dma_wait3A_147 = tpu.memref_slice %arg5[%add3A, %dma_wait3A_146] : memref<32x256xi32, #tpu.memory_space<hbm>> -> memref<1x256xi32, #tpu.memory_space<hbm>>
      %dma_wait3A_148 = tpu.memref_squeeze %dma_wait3A_147 : memref<1x256xi32, #tpu.memory_space<hbm>> -> memref<256xi32, #tpu.memory_space<hbm>>
      tpu.wait_dma2 semaphore(%run_scoped3A : memref<!tpu.dma_semaphore, #tpu.memory_space<semaphore_mem>>) src(%arg9 : memref<256xi32, #tpu.memory_space<vmem>>) dst(%dma_wait3A_148 : memref<256xi32, #tpu.memory_space<hbm>>)
      tpu.yield
    }) : () -> ()
    return
  }
}

module attributes {stable_mosaic.version = 14 : i64} {
  func.func @body(%arg0: memref<32x256xf32, #tpu.memory_space<vmem>>, %arg1: memref<32x256xi32, #tpu.memory_space<vmem>>, %arg2: memref<16x1024xf32, #tpu.memory_space<vmem>>, %arg3: memref<16x1024xi32, #tpu.memory_space<vmem>>, %arg4: memref<1x1xf32, #tpu.memory_space<smem>>) attributes {dimension_semantics = [], scalar_prefetch = 0 : i64, scratch_operands = 0 : i64, tpu.core_type = #tpu.core_type<tc>} {
    %get3A = arith.constant 0 : index
    %get3A_0 = arith.constant 0 : index
    %get3A_1 = vector.load %arg0[%get3A, %get3A_0] : memref<32x256xf32, #tpu.memory_space<vmem>>, vector<32x256xf32>
    %get3A_2 = arith.constant 0 : index
    %get3A_3 = arith.constant 0 : index
    %get3A_4 = vector.load %arg1[%get3A_2, %get3A_3] : memref<32x256xi32, #tpu.memory_space<vmem>>, vector<32x256xi32>
    %and3A = arith.constant 65535 : i32
    %and3A_5 = vector.broadcast %and3A : i32 to vector<32x256xi32>
    %and3A_6 = arith.andi %get3A_4, %and3A_5 : vector<32x256xi32>
    %convert_element_type3A = arith.sitofp %and3A_6 : vector<32x256xi32> to vector<32x256xf32>
    %reduce_sum3A = arith.constant dense<0.000000e+00> : vector<256xf32>
    %reduce_sum3A_7 = vector.multi_reduction <add>, %convert_element_type3A, %reduce_sum3A [0] : vector<32x256xf32> to vector<256xf32>
    %broadcast_in_dim3A = vector.shape_cast %reduce_sum3A_7 : vector<256xf32> to vector<1x256xf32>
    %shift_right_logical3A = arith.constant 16 : i32
    %shift_right_logical3A_8 = vector.broadcast %shift_right_logical3A : i32 to vector<32x256xi32>
    %shift_right_logical3A_9 = arith.shrui %get3A_4, %shift_right_logical3A_8 : vector<32x256xi32>
    %convert_element_type3A_10 = arith.sitofp %shift_right_logical3A_9 : vector<32x256xi32> to vector<32x256xf32>
    %reduce_sum3A_11 = arith.constant dense<0.000000e+00> : vector<256xf32>
    %reduce_sum3A_12 = vector.multi_reduction <add>, %convert_element_type3A_10, %reduce_sum3A_11 [0] : vector<32x256xf32> to vector<256xf32>
    %broadcast_in_dim3A_13 = vector.shape_cast %reduce_sum3A_12 : vector<256xf32> to vector<1x256xf32>
    %reduce_sum3A_14 = arith.constant dense<0.000000e+00> : vector<256xf32>
    %reduce_sum3A_15 = vector.multi_reduction <add>, %get3A_1, %reduce_sum3A_14 [0] : vector<32x256xf32> to vector<256xf32>
    %broadcast_in_dim3A_16 = vector.shape_cast %reduce_sum3A_15 : vector<256xf32> to vector<1x256xf32>
    %get3A_17 = arith.constant 0 : index
    %get3A_18 = arith.constant 0 : index
    %get3A_19 = vector.load %arg3[%get3A_17, %get3A_18] : memref<16x1024xi32, #tpu.memory_space<vmem>>, vector<16x1024xi32>
    %get3A_20 = arith.constant 0 : index
    %get3A_21 = arith.constant 0 : index
    %get3A_22 = vector.load %arg2[%get3A_20, %get3A_21] : memref<16x1024xf32, #tpu.memory_space<vmem>>, vector<16x1024xf32>
    %reduce_sum3A_23 = arith.constant dense<0.000000e+00> : vector<16xf32>
    %reduce_sum3A_24 = vector.multi_reduction <add>, %get3A_22, %reduce_sum3A_23 [1] : vector<16x1024xf32> to vector<16xf32>
    %broadcast_in_dim3A_25 = vector.shape_cast %reduce_sum3A_24 : vector<16xf32> to vector<16x1xf32>
    %and3A_26 = arith.constant 65535 : i32
    %and3A_27 = vector.broadcast %and3A_26 : i32 to vector<16x1024xi32>
    %and3A_28 = arith.andi %get3A_19, %and3A_27 : vector<16x1024xi32>
    %convert_element_type3A_29 = arith.sitofp %and3A_28 : vector<16x1024xi32> to vector<16x1024xf32>
    %reduce_sum3A_30 = arith.constant dense<0.000000e+00> : vector<16xf32>
    %reduce_sum3A_31 = vector.multi_reduction <add>, %convert_element_type3A_29, %reduce_sum3A_30 [1] : vector<16x1024xf32> to vector<16xf32>
    %broadcast_in_dim3A_32 = vector.shape_cast %reduce_sum3A_31 : vector<16xf32> to vector<16x1xf32>
    %shift_right_logical3A_33 = arith.constant 16 : i32
    %shift_right_logical3A_34 = vector.broadcast %shift_right_logical3A_33 : i32 to vector<16x1024xi32>
    %shift_right_logical3A_35 = arith.shrui %get3A_19, %shift_right_logical3A_34 : vector<16x1024xi32>
    %convert_element_type3A_36 = arith.sitofp %shift_right_logical3A_35 : vector<16x1024xi32> to vector<16x1024xf32>
    %reduce_sum3A_37 = arith.constant dense<0.000000e+00> : vector<16xf32>
    %reduce_sum3A_38 = vector.multi_reduction <add>, %convert_element_type3A_36, %reduce_sum3A_37 [1] : vector<16x1024xf32> to vector<16xf32>
    %broadcast_in_dim3A_39 = vector.shape_cast %reduce_sum3A_38 : vector<16xf32> to vector<16x1xf32>
    %slice3A = vector.extract_strided_slice %broadcast_in_dim3A {offsets = [0, 0], sizes = [1, 16], strides = [1, 1]} : vector<1x256xf32> to vector<1x16xf32>
    %reduce_sum3A_40 = vector.shape_cast %slice3A : vector<1x16xf32> to vector<1x1x16xf32>
    %reduce_sum3A_41 = arith.constant dense<0.000000e+00> : vector<1xf32>
    %reduce_sum3A_42 = vector.multi_reduction <add>, %reduce_sum3A_40, %reduce_sum3A_41 [1, 2] : vector<1x1x16xf32> to vector<1xf32>
    %reduce_sum3A_43 = vector.shape_cast %reduce_sum3A_42 : vector<1xf32> to vector<1x1x1xf32>
    %reduce_sum3A_44 = vector.extract %reduce_sum3A_43[0, 0, 0] : f32 from vector<1x1x1xf32>
    %slice3A_45 = vector.extract_strided_slice %broadcast_in_dim3A_32 {offsets = [0, 0], sizes = [1, 1], strides = [1, 1]} : vector<16x1xf32> to vector<1x1xf32>
    %squeeze3A = vector.extract %slice3A_45[0, 0] : f32 from vector<1x1xf32>
    %add3A = arith.addf %reduce_sum3A_44, %squeeze3A : f32
    %slice3A_46 = vector.extract_strided_slice %broadcast_in_dim3A_16 {offsets = [0, 0], sizes = [1, 16], strides = [1, 1]} : vector<1x256xf32> to vector<1x16xf32>
    %reduce_sum3A_47 = vector.shape_cast %slice3A_46 : vector<1x16xf32> to vector<1x1x16xf32>
    %reduce_sum3A_48 = arith.constant dense<0.000000e+00> : vector<1xf32>
    %reduce_sum3A_49 = vector.multi_reduction <add>, %reduce_sum3A_47, %reduce_sum3A_48 [1, 2] : vector<1x1x16xf32> to vector<1xf32>
    %reduce_sum3A_50 = vector.shape_cast %reduce_sum3A_49 : vector<1xf32> to vector<1x1x1xf32>
    %reduce_sum3A_51 = vector.extract %reduce_sum3A_50[0, 0, 0] : f32 from vector<1x1x1xf32>
    %slice3A_52 = vector.extract_strided_slice %broadcast_in_dim3A_25 {offsets = [0, 0], sizes = [1, 1], strides = [1, 1]} : vector<16x1xf32> to vector<1x1xf32>
    %squeeze3A_53 = vector.extract %slice3A_52[0, 0] : f32 from vector<1x1xf32>
    %add3A_54 = arith.addf %reduce_sum3A_51, %squeeze3A_53 : f32
    %slice3A_55 = vector.extract_strided_slice %broadcast_in_dim3A_13 {offsets = [0, 0], sizes = [1, 16], strides = [1, 1]} : vector<1x256xf32> to vector<1x16xf32>
    %reduce_sum3A_56 = vector.shape_cast %slice3A_55 : vector<1x16xf32> to vector<1x1x16xf32>
    %reduce_sum3A_57 = arith.constant dense<0.000000e+00> : vector<1xf32>
    %reduce_sum3A_58 = vector.multi_reduction <add>, %reduce_sum3A_56, %reduce_sum3A_57 [1, 2] : vector<1x1x16xf32> to vector<1xf32>
    %reduce_sum3A_59 = vector.shape_cast %reduce_sum3A_58 : vector<1xf32> to vector<1x1x1xf32>
    %reduce_sum3A_60 = vector.extract %reduce_sum3A_59[0, 0, 0] : f32 from vector<1x1x1xf32>
    %slice3A_61 = vector.extract_strided_slice %broadcast_in_dim3A_39 {offsets = [0, 0], sizes = [1, 1], strides = [1, 1]} : vector<16x1xf32> to vector<1x1xf32>
    %squeeze3A_62 = vector.extract %slice3A_61[0, 0] : f32 from vector<1x1xf32>
    %add3A_63 = arith.addf %reduce_sum3A_60, %squeeze3A_62 : f32
    %max3A = arith.constant 1.000000e+00 : f32
    %max3A_64 = arith.maximumf %add3A, %max3A : f32
    %div3A = arith.divf %add3A_54, %max3A_64 : f32
    %div3A_65 = arith.divf %add3A_63, %max3A_64 : f32
    %sub3A = arith.subf %div3A, %div3A_65 : f32
    %abs3A = math.absf %sub3A : f32
    %mul3A = arith.constant 5.96046448E-8 : f32
    %mul3A_66 = arith.mulf %add3A, %mul3A : f32
    %mul3A_67 = arith.mulf %abs3A, %mul3A_66 : f32
    %gt3A = arith.constant 0.000000e+00 : f32
    %gt3A_68 = arith.cmpf ogt, %add3A, %gt3A : f32
    %jit3A = arith.constant 0.000000e+00 : f32
    %select_n3A = arith.select %gt3A_68, %mul3A_67, %jit3A : f32
    %add3A_69 = arith.constant 0.000000e+00 : f32
    %add3A_70 = arith.addf %add3A_69, %select_n3A : f32
    %slice3A_71 = vector.extract_strided_slice %broadcast_in_dim3A {offsets = [0, 16], sizes = [1, 16], strides = [1, 1]} : vector<1x256xf32> to vector<1x16xf32>
    %reduce_sum3A_72 = vector.shape_cast %slice3A_71 : vector<1x16xf32> to vector<1x1x16xf32>
    %reduce_sum3A_73 = arith.constant dense<0.000000e+00> : vector<1xf32>
    %reduce_sum3A_74 = vector.multi_reduction <add>, %reduce_sum3A_72, %reduce_sum3A_73 [1, 2] : vector<1x1x16xf32> to vector<1xf32>
    %reduce_sum3A_75 = vector.shape_cast %reduce_sum3A_74 : vector<1xf32> to vector<1x1x1xf32>
    %reduce_sum3A_76 = vector.extract %reduce_sum3A_75[0, 0, 0] : f32 from vector<1x1x1xf32>
    %slice3A_77 = vector.extract_strided_slice %broadcast_in_dim3A_32 {offsets = [1, 0], sizes = [1, 1], strides = [1, 1]} : vector<16x1xf32> to vector<1x1xf32>
    %squeeze3A_78 = vector.extract %slice3A_77[0, 0] : f32 from vector<1x1xf32>
    %add3A_79 = arith.addf %reduce_sum3A_76, %squeeze3A_78 : f32
    %slice3A_80 = vector.extract_strided_slice %broadcast_in_dim3A_16 {offsets = [0, 16], sizes = [1, 16], strides = [1, 1]} : vector<1x256xf32> to vector<1x16xf32>
    %reduce_sum3A_81 = vector.shape_cast %slice3A_80 : vector<1x16xf32> to vector<1x1x16xf32>
    %reduce_sum3A_82 = arith.constant dense<0.000000e+00> : vector<1xf32>
    %reduce_sum3A_83 = vector.multi_reduction <add>, %reduce_sum3A_81, %reduce_sum3A_82 [1, 2] : vector<1x1x16xf32> to vector<1xf32>
    %reduce_sum3A_84 = vector.shape_cast %reduce_sum3A_83 : vector<1xf32> to vector<1x1x1xf32>
    %reduce_sum3A_85 = vector.extract %reduce_sum3A_84[0, 0, 0] : f32 from vector<1x1x1xf32>
    %slice3A_86 = vector.extract_strided_slice %broadcast_in_dim3A_25 {offsets = [1, 0], sizes = [1, 1], strides = [1, 1]} : vector<16x1xf32> to vector<1x1xf32>
    %squeeze3A_87 = vector.extract %slice3A_86[0, 0] : f32 from vector<1x1xf32>
    %add3A_88 = arith.addf %reduce_sum3A_85, %squeeze3A_87 : f32
    %slice3A_89 = vector.extract_strided_slice %broadcast_in_dim3A_13 {offsets = [0, 16], sizes = [1, 16], strides = [1, 1]} : vector<1x256xf32> to vector<1x16xf32>
    %reduce_sum3A_90 = vector.shape_cast %slice3A_89 : vector<1x16xf32> to vector<1x1x16xf32>
    %reduce_sum3A_91 = arith.constant dense<0.000000e+00> : vector<1xf32>
    %reduce_sum3A_92 = vector.multi_reduction <add>, %reduce_sum3A_90, %reduce_sum3A_91 [1, 2] : vector<1x1x16xf32> to vector<1xf32>
    %reduce_sum3A_93 = vector.shape_cast %reduce_sum3A_92 : vector<1xf32> to vector<1x1x1xf32>
    %reduce_sum3A_94 = vector.extract %reduce_sum3A_93[0, 0, 0] : f32 from vector<1x1x1xf32>
    %slice3A_95 = vector.extract_strided_slice %broadcast_in_dim3A_39 {offsets = [1, 0], sizes = [1, 1], strides = [1, 1]} : vector<16x1xf32> to vector<1x1xf32>
    %squeeze3A_96 = vector.extract %slice3A_95[0, 0] : f32 from vector<1x1xf32>
    %add3A_97 = arith.addf %reduce_sum3A_94, %squeeze3A_96 : f32
    %max3A_98 = arith.constant 1.000000e+00 : f32
    %max3A_99 = arith.maximumf %add3A_79, %max3A_98 : f32
    %div3A_100 = arith.divf %add3A_88, %max3A_99 : f32
    %div3A_101 = arith.divf %add3A_97, %max3A_99 : f32
    %sub3A_102 = arith.subf %div3A_100, %div3A_101 : f32
    %abs3A_103 = math.absf %sub3A_102 : f32
    %mul3A_104 = arith.constant 5.96046448E-8 : f32
    %mul3A_105 = arith.mulf %add3A_79, %mul3A_104 : f32
    %mul3A_106 = arith.mulf %abs3A_103, %mul3A_105 : f32
    %gt3A_107 = arith.constant 0.000000e+00 : f32
    %gt3A_108 = arith.cmpf ogt, %add3A_79, %gt3A_107 : f32
    %jit3A_109 = arith.constant 0.000000e+00 : f32
    %select_n3A_110 = arith.select %gt3A_108, %mul3A_106, %jit3A_109 : f32
    %add3A_111 = arith.addf %add3A_70, %select_n3A_110 : f32
    %slice3A_112 = vector.extract_strided_slice %broadcast_in_dim3A {offsets = [0, 32], sizes = [1, 16], strides = [1, 1]} : vector<1x256xf32> to vector<1x16xf32>
    %reduce_sum3A_113 = vector.shape_cast %slice3A_112 : vector<1x16xf32> to vector<1x1x16xf32>
    %reduce_sum3A_114 = arith.constant dense<0.000000e+00> : vector<1xf32>
    %reduce_sum3A_115 = vector.multi_reduction <add>, %reduce_sum3A_113, %reduce_sum3A_114 [1, 2] : vector<1x1x16xf32> to vector<1xf32>
    %reduce_sum3A_116 = vector.shape_cast %reduce_sum3A_115 : vector<1xf32> to vector<1x1x1xf32>
    %reduce_sum3A_117 = vector.extract %reduce_sum3A_116[0, 0, 0] : f32 from vector<1x1x1xf32>
    %slice3A_118 = vector.extract_strided_slice %broadcast_in_dim3A_32 {offsets = [2, 0], sizes = [1, 1], strides = [1, 1]} : vector<16x1xf32> to vector<1x1xf32>
    %squeeze3A_119 = vector.extract %slice3A_118[0, 0] : f32 from vector<1x1xf32>
    %add3A_120 = arith.addf %reduce_sum3A_117, %squeeze3A_119 : f32
    %slice3A_121 = vector.extract_strided_slice %broadcast_in_dim3A_16 {offsets = [0, 32], sizes = [1, 16], strides = [1, 1]} : vector<1x256xf32> to vector<1x16xf32>
    %reduce_sum3A_122 = vector.shape_cast %slice3A_121 : vector<1x16xf32> to vector<1x1x16xf32>
    %reduce_sum3A_123 = arith.constant dense<0.000000e+00> : vector<1xf32>
    %reduce_sum3A_124 = vector.multi_reduction <add>, %reduce_sum3A_122, %reduce_sum3A_123 [1, 2] : vector<1x1x16xf32> to vector<1xf32>
    %reduce_sum3A_125 = vector.shape_cast %reduce_sum3A_124 : vector<1xf32> to vector<1x1x1xf32>
    %reduce_sum3A_126 = vector.extract %reduce_sum3A_125[0, 0, 0] : f32 from vector<1x1x1xf32>
    %slice3A_127 = vector.extract_strided_slice %broadcast_in_dim3A_25 {offsets = [2, 0], sizes = [1, 1], strides = [1, 1]} : vector<16x1xf32> to vector<1x1xf32>
    %squeeze3A_128 = vector.extract %slice3A_127[0, 0] : f32 from vector<1x1xf32>
    %add3A_129 = arith.addf %reduce_sum3A_126, %squeeze3A_128 : f32
    %slice3A_130 = vector.extract_strided_slice %broadcast_in_dim3A_13 {offsets = [0, 32], sizes = [1, 16], strides = [1, 1]} : vector<1x256xf32> to vector<1x16xf32>
    %reduce_sum3A_131 = vector.shape_cast %slice3A_130 : vector<1x16xf32> to vector<1x1x16xf32>
    %reduce_sum3A_132 = arith.constant dense<0.000000e+00> : vector<1xf32>
    %reduce_sum3A_133 = vector.multi_reduction <add>, %reduce_sum3A_131, %reduce_sum3A_132 [1, 2] : vector<1x1x16xf32> to vector<1xf32>
    %reduce_sum3A_134 = vector.shape_cast %reduce_sum3A_133 : vector<1xf32> to vector<1x1x1xf32>
    %reduce_sum3A_135 = vector.extract %reduce_sum3A_134[0, 0, 0] : f32 from vector<1x1x1xf32>
    %slice3A_136 = vector.extract_strided_slice %broadcast_in_dim3A_39 {offsets = [2, 0], sizes = [1, 1], strides = [1, 1]} : vector<16x1xf32> to vector<1x1xf32>
    %squeeze3A_137 = vector.extract %slice3A_136[0, 0] : f32 from vector<1x1xf32>
    %add3A_138 = arith.addf %reduce_sum3A_135, %squeeze3A_137 : f32
    %max3A_139 = arith.constant 1.000000e+00 : f32
    %max3A_140 = arith.maximumf %add3A_120, %max3A_139 : f32
    %div3A_141 = arith.divf %add3A_129, %max3A_140 : f32
    %div3A_142 = arith.divf %add3A_138, %max3A_140 : f32
    %sub3A_143 = arith.subf %div3A_141, %div3A_142 : f32
    %abs3A_144 = math.absf %sub3A_143 : f32
    %mul3A_145 = arith.constant 5.96046448E-8 : f32
    %mul3A_146 = arith.mulf %add3A_120, %mul3A_145 : f32
    %mul3A_147 = arith.mulf %abs3A_144, %mul3A_146 : f32
    %gt3A_148 = arith.constant 0.000000e+00 : f32
    %gt3A_149 = arith.cmpf ogt, %add3A_120, %gt3A_148 : f32
    %jit3A_150 = arith.constant 0.000000e+00 : f32
    %select_n3A_151 = arith.select %gt3A_149, %mul3A_147, %jit3A_150 : f32
    %add3A_152 = arith.addf %add3A_111, %select_n3A_151 : f32
    %slice3A_153 = vector.extract_strided_slice %broadcast_in_dim3A {offsets = [0, 48], sizes = [1, 16], strides = [1, 1]} : vector<1x256xf32> to vector<1x16xf32>
    %reduce_sum3A_154 = vector.shape_cast %slice3A_153 : vector<1x16xf32> to vector<1x1x16xf32>
    %reduce_sum3A_155 = arith.constant dense<0.000000e+00> : vector<1xf32>
    %reduce_sum3A_156 = vector.multi_reduction <add>, %reduce_sum3A_154, %reduce_sum3A_155 [1, 2] : vector<1x1x16xf32> to vector<1xf32>
    %reduce_sum3A_157 = vector.shape_cast %reduce_sum3A_156 : vector<1xf32> to vector<1x1x1xf32>
    %reduce_sum3A_158 = vector.extract %reduce_sum3A_157[0, 0, 0] : f32 from vector<1x1x1xf32>
    %slice3A_159 = vector.extract_strided_slice %broadcast_in_dim3A_32 {offsets = [3, 0], sizes = [1, 1], strides = [1, 1]} : vector<16x1xf32> to vector<1x1xf32>
    %squeeze3A_160 = vector.extract %slice3A_159[0, 0] : f32 from vector<1x1xf32>
    %add3A_161 = arith.addf %reduce_sum3A_158, %squeeze3A_160 : f32
    %slice3A_162 = vector.extract_strided_slice %broadcast_in_dim3A_16 {offsets = [0, 48], sizes = [1, 16], strides = [1, 1]} : vector<1x256xf32> to vector<1x16xf32>
    %reduce_sum3A_163 = vector.shape_cast %slice3A_162 : vector<1x16xf32> to vector<1x1x16xf32>
    %reduce_sum3A_164 = arith.constant dense<0.000000e+00> : vector<1xf32>
    %reduce_sum3A_165 = vector.multi_reduction <add>, %reduce_sum3A_163, %reduce_sum3A_164 [1, 2] : vector<1x1x16xf32> to vector<1xf32>
    %reduce_sum3A_166 = vector.shape_cast %reduce_sum3A_165 : vector<1xf32> to vector<1x1x1xf32>
    %reduce_sum3A_167 = vector.extract %reduce_sum3A_166[0, 0, 0] : f32 from vector<1x1x1xf32>
    %slice3A_168 = vector.extract_strided_slice %broadcast_in_dim3A_25 {offsets = [3, 0], sizes = [1, 1], strides = [1, 1]} : vector<16x1xf32> to vector<1x1xf32>
    %squeeze3A_169 = vector.extract %slice3A_168[0, 0] : f32 from vector<1x1xf32>
    %add3A_170 = arith.addf %reduce_sum3A_167, %squeeze3A_169 : f32
    %slice3A_171 = vector.extract_strided_slice %broadcast_in_dim3A_13 {offsets = [0, 48], sizes = [1, 16], strides = [1, 1]} : vector<1x256xf32> to vector<1x16xf32>
    %reduce_sum3A_172 = vector.shape_cast %slice3A_171 : vector<1x16xf32> to vector<1x1x16xf32>
    %reduce_sum3A_173 = arith.constant dense<0.000000e+00> : vector<1xf32>
    %reduce_sum3A_174 = vector.multi_reduction <add>, %reduce_sum3A_172, %reduce_sum3A_173 [1, 2] : vector<1x1x16xf32> to vector<1xf32>
    %reduce_sum3A_175 = vector.shape_cast %reduce_sum3A_174 : vector<1xf32> to vector<1x1x1xf32>
    %reduce_sum3A_176 = vector.extract %reduce_sum3A_175[0, 0, 0] : f32 from vector<1x1x1xf32>
    %slice3A_177 = vector.extract_strided_slice %broadcast_in_dim3A_39 {offsets = [3, 0], sizes = [1, 1], strides = [1, 1]} : vector<16x1xf32> to vector<1x1xf32>
    %squeeze3A_178 = vector.extract %slice3A_177[0, 0] : f32 from vector<1x1xf32>
    %add3A_179 = arith.addf %reduce_sum3A_176, %squeeze3A_178 : f32
    %max3A_180 = arith.constant 1.000000e+00 : f32
    %max3A_181 = arith.maximumf %add3A_161, %max3A_180 : f32
    %div3A_182 = arith.divf %add3A_170, %max3A_181 : f32
    %div3A_183 = arith.divf %add3A_179, %max3A_181 : f32
    %sub3A_184 = arith.subf %div3A_182, %div3A_183 : f32
    %abs3A_185 = math.absf %sub3A_184 : f32
    %mul3A_186 = arith.constant 5.96046448E-8 : f32
    %mul3A_187 = arith.mulf %add3A_161, %mul3A_186 : f32
    %mul3A_188 = arith.mulf %abs3A_185, %mul3A_187 : f32
    %gt3A_189 = arith.constant 0.000000e+00 : f32
    %gt3A_190 = arith.cmpf ogt, %add3A_161, %gt3A_189 : f32
    %jit3A_191 = arith.constant 0.000000e+00 : f32
    %select_n3A_192 = arith.select %gt3A_190, %mul3A_188, %jit3A_191 : f32
    %add3A_193 = arith.addf %add3A_152, %select_n3A_192 : f32
    %slice3A_194 = vector.extract_strided_slice %broadcast_in_dim3A {offsets = [0, 64], sizes = [1, 16], strides = [1, 1]} : vector<1x256xf32> to vector<1x16xf32>
    %reduce_sum3A_195 = vector.shape_cast %slice3A_194 : vector<1x16xf32> to vector<1x1x16xf32>
    %reduce_sum3A_196 = arith.constant dense<0.000000e+00> : vector<1xf32>
    %reduce_sum3A_197 = vector.multi_reduction <add>, %reduce_sum3A_195, %reduce_sum3A_196 [1, 2] : vector<1x1x16xf32> to vector<1xf32>
    %reduce_sum3A_198 = vector.shape_cast %reduce_sum3A_197 : vector<1xf32> to vector<1x1x1xf32>
    %reduce_sum3A_199 = vector.extract %reduce_sum3A_198[0, 0, 0] : f32 from vector<1x1x1xf32>
    %slice3A_200 = vector.extract_strided_slice %broadcast_in_dim3A_32 {offsets = [4, 0], sizes = [1, 1], strides = [1, 1]} : vector<16x1xf32> to vector<1x1xf32>
    %squeeze3A_201 = vector.extract %slice3A_200[0, 0] : f32 from vector<1x1xf32>
    %add3A_202 = arith.addf %reduce_sum3A_199, %squeeze3A_201 : f32
    %slice3A_203 = vector.extract_strided_slice %broadcast_in_dim3A_16 {offsets = [0, 64], sizes = [1, 16], strides = [1, 1]} : vector<1x256xf32> to vector<1x16xf32>
    %reduce_sum3A_204 = vector.shape_cast %slice3A_203 : vector<1x16xf32> to vector<1x1x16xf32>
    %reduce_sum3A_205 = arith.constant dense<0.000000e+00> : vector<1xf32>
    %reduce_sum3A_206 = vector.multi_reduction <add>, %reduce_sum3A_204, %reduce_sum3A_205 [1, 2] : vector<1x1x16xf32> to vector<1xf32>
    %reduce_sum3A_207 = vector.shape_cast %reduce_sum3A_206 : vector<1xf32> to vector<1x1x1xf32>
    %reduce_sum3A_208 = vector.extract %reduce_sum3A_207[0, 0, 0] : f32 from vector<1x1x1xf32>
    %slice3A_209 = vector.extract_strided_slice %broadcast_in_dim3A_25 {offsets = [4, 0], sizes = [1, 1], strides = [1, 1]} : vector<16x1xf32> to vector<1x1xf32>
    %squeeze3A_210 = vector.extract %slice3A_209[0, 0] : f32 from vector<1x1xf32>
    %add3A_211 = arith.addf %reduce_sum3A_208, %squeeze3A_210 : f32
    %slice3A_212 = vector.extract_strided_slice %broadcast_in_dim3A_13 {offsets = [0, 64], sizes = [1, 16], strides = [1, 1]} : vector<1x256xf32> to vector<1x16xf32>
    %reduce_sum3A_213 = vector.shape_cast %slice3A_212 : vector<1x16xf32> to vector<1x1x16xf32>
    %reduce_sum3A_214 = arith.constant dense<0.000000e+00> : vector<1xf32>
    %reduce_sum3A_215 = vector.multi_reduction <add>, %reduce_sum3A_213, %reduce_sum3A_214 [1, 2] : vector<1x1x16xf32> to vector<1xf32>
    %reduce_sum3A_216 = vector.shape_cast %reduce_sum3A_215 : vector<1xf32> to vector<1x1x1xf32>
    %reduce_sum3A_217 = vector.extract %reduce_sum3A_216[0, 0, 0] : f32 from vector<1x1x1xf32>
    %slice3A_218 = vector.extract_strided_slice %broadcast_in_dim3A_39 {offsets = [4, 0], sizes = [1, 1], strides = [1, 1]} : vector<16x1xf32> to vector<1x1xf32>
    %squeeze3A_219 = vector.extract %slice3A_218[0, 0] : f32 from vector<1x1xf32>
    %add3A_220 = arith.addf %reduce_sum3A_217, %squeeze3A_219 : f32
    %max3A_221 = arith.constant 1.000000e+00 : f32
    %max3A_222 = arith.maximumf %add3A_202, %max3A_221 : f32
    %div3A_223 = arith.divf %add3A_211, %max3A_222 : f32
    %div3A_224 = arith.divf %add3A_220, %max3A_222 : f32
    %sub3A_225 = arith.subf %div3A_223, %div3A_224 : f32
    %abs3A_226 = math.absf %sub3A_225 : f32
    %mul3A_227 = arith.constant 5.96046448E-8 : f32
    %mul3A_228 = arith.mulf %add3A_202, %mul3A_227 : f32
    %mul3A_229 = arith.mulf %abs3A_226, %mul3A_228 : f32
    %gt3A_230 = arith.constant 0.000000e+00 : f32
    %gt3A_231 = arith.cmpf ogt, %add3A_202, %gt3A_230 : f32
    %jit3A_232 = arith.constant 0.000000e+00 : f32
    %select_n3A_233 = arith.select %gt3A_231, %mul3A_229, %jit3A_232 : f32
    %add3A_234 = arith.addf %add3A_193, %select_n3A_233 : f32
    %slice3A_235 = vector.extract_strided_slice %broadcast_in_dim3A {offsets = [0, 80], sizes = [1, 16], strides = [1, 1]} : vector<1x256xf32> to vector<1x16xf32>
    %reduce_sum3A_236 = vector.shape_cast %slice3A_235 : vector<1x16xf32> to vector<1x1x16xf32>
    %reduce_sum3A_237 = arith.constant dense<0.000000e+00> : vector<1xf32>
    %reduce_sum3A_238 = vector.multi_reduction <add>, %reduce_sum3A_236, %reduce_sum3A_237 [1, 2] : vector<1x1x16xf32> to vector<1xf32>
    %reduce_sum3A_239 = vector.shape_cast %reduce_sum3A_238 : vector<1xf32> to vector<1x1x1xf32>
    %reduce_sum3A_240 = vector.extract %reduce_sum3A_239[0, 0, 0] : f32 from vector<1x1x1xf32>
    %slice3A_241 = vector.extract_strided_slice %broadcast_in_dim3A_32 {offsets = [5, 0], sizes = [1, 1], strides = [1, 1]} : vector<16x1xf32> to vector<1x1xf32>
    %squeeze3A_242 = vector.extract %slice3A_241[0, 0] : f32 from vector<1x1xf32>
    %add3A_243 = arith.addf %reduce_sum3A_240, %squeeze3A_242 : f32
    %slice3A_244 = vector.extract_strided_slice %broadcast_in_dim3A_16 {offsets = [0, 80], sizes = [1, 16], strides = [1, 1]} : vector<1x256xf32> to vector<1x16xf32>
    %reduce_sum3A_245 = vector.shape_cast %slice3A_244 : vector<1x16xf32> to vector<1x1x16xf32>
    %reduce_sum3A_246 = arith.constant dense<0.000000e+00> : vector<1xf32>
    %reduce_sum3A_247 = vector.multi_reduction <add>, %reduce_sum3A_245, %reduce_sum3A_246 [1, 2] : vector<1x1x16xf32> to vector<1xf32>
    %reduce_sum3A_248 = vector.shape_cast %reduce_sum3A_247 : vector<1xf32> to vector<1x1x1xf32>
    %reduce_sum3A_249 = vector.extract %reduce_sum3A_248[0, 0, 0] : f32 from vector<1x1x1xf32>
    %slice3A_250 = vector.extract_strided_slice %broadcast_in_dim3A_25 {offsets = [5, 0], sizes = [1, 1], strides = [1, 1]} : vector<16x1xf32> to vector<1x1xf32>
    %squeeze3A_251 = vector.extract %slice3A_250[0, 0] : f32 from vector<1x1xf32>
    %add3A_252 = arith.addf %reduce_sum3A_249, %squeeze3A_251 : f32
    %slice3A_253 = vector.extract_strided_slice %broadcast_in_dim3A_13 {offsets = [0, 80], sizes = [1, 16], strides = [1, 1]} : vector<1x256xf32> to vector<1x16xf32>
    %reduce_sum3A_254 = vector.shape_cast %slice3A_253 : vector<1x16xf32> to vector<1x1x16xf32>
    %reduce_sum3A_255 = arith.constant dense<0.000000e+00> : vector<1xf32>
    %reduce_sum3A_256 = vector.multi_reduction <add>, %reduce_sum3A_254, %reduce_sum3A_255 [1, 2] : vector<1x1x16xf32> to vector<1xf32>
    %reduce_sum3A_257 = vector.shape_cast %reduce_sum3A_256 : vector<1xf32> to vector<1x1x1xf32>
    %reduce_sum3A_258 = vector.extract %reduce_sum3A_257[0, 0, 0] : f32 from vector<1x1x1xf32>
    %slice3A_259 = vector.extract_strided_slice %broadcast_in_dim3A_39 {offsets = [5, 0], sizes = [1, 1], strides = [1, 1]} : vector<16x1xf32> to vector<1x1xf32>
    %squeeze3A_260 = vector.extract %slice3A_259[0, 0] : f32 from vector<1x1xf32>
    %add3A_261 = arith.addf %reduce_sum3A_258, %squeeze3A_260 : f32
    %max3A_262 = arith.constant 1.000000e+00 : f32
    %max3A_263 = arith.maximumf %add3A_243, %max3A_262 : f32
    %div3A_264 = arith.divf %add3A_252, %max3A_263 : f32
    %div3A_265 = arith.divf %add3A_261, %max3A_263 : f32
    %sub3A_266 = arith.subf %div3A_264, %div3A_265 : f32
    %abs3A_267 = math.absf %sub3A_266 : f32
    %mul3A_268 = arith.constant 5.96046448E-8 : f32
    %mul3A_269 = arith.mulf %add3A_243, %mul3A_268 : f32
    %mul3A_270 = arith.mulf %abs3A_267, %mul3A_269 : f32
    %gt3A_271 = arith.constant 0.000000e+00 : f32
    %gt3A_272 = arith.cmpf ogt, %add3A_243, %gt3A_271 : f32
    %jit3A_273 = arith.constant 0.000000e+00 : f32
    %select_n3A_274 = arith.select %gt3A_272, %mul3A_270, %jit3A_273 : f32
    %add3A_275 = arith.addf %add3A_234, %select_n3A_274 : f32
    %slice3A_276 = vector.extract_strided_slice %broadcast_in_dim3A {offsets = [0, 96], sizes = [1, 16], strides = [1, 1]} : vector<1x256xf32> to vector<1x16xf32>
    %reduce_sum3A_277 = vector.shape_cast %slice3A_276 : vector<1x16xf32> to vector<1x1x16xf32>
    %reduce_sum3A_278 = arith.constant dense<0.000000e+00> : vector<1xf32>
    %reduce_sum3A_279 = vector.multi_reduction <add>, %reduce_sum3A_277, %reduce_sum3A_278 [1, 2] : vector<1x1x16xf32> to vector<1xf32>
    %reduce_sum3A_280 = vector.shape_cast %reduce_sum3A_279 : vector<1xf32> to vector<1x1x1xf32>
    %reduce_sum3A_281 = vector.extract %reduce_sum3A_280[0, 0, 0] : f32 from vector<1x1x1xf32>
    %slice3A_282 = vector.extract_strided_slice %broadcast_in_dim3A_32 {offsets = [6, 0], sizes = [1, 1], strides = [1, 1]} : vector<16x1xf32> to vector<1x1xf32>
    %squeeze3A_283 = vector.extract %slice3A_282[0, 0] : f32 from vector<1x1xf32>
    %add3A_284 = arith.addf %reduce_sum3A_281, %squeeze3A_283 : f32
    %slice3A_285 = vector.extract_strided_slice %broadcast_in_dim3A_16 {offsets = [0, 96], sizes = [1, 16], strides = [1, 1]} : vector<1x256xf32> to vector<1x16xf32>
    %reduce_sum3A_286 = vector.shape_cast %slice3A_285 : vector<1x16xf32> to vector<1x1x16xf32>
    %reduce_sum3A_287 = arith.constant dense<0.000000e+00> : vector<1xf32>
    %reduce_sum3A_288 = vector.multi_reduction <add>, %reduce_sum3A_286, %reduce_sum3A_287 [1, 2] : vector<1x1x16xf32> to vector<1xf32>
    %reduce_sum3A_289 = vector.shape_cast %reduce_sum3A_288 : vector<1xf32> to vector<1x1x1xf32>
    %reduce_sum3A_290 = vector.extract %reduce_sum3A_289[0, 0, 0] : f32 from vector<1x1x1xf32>
    %slice3A_291 = vector.extract_strided_slice %broadcast_in_dim3A_25 {offsets = [6, 0], sizes = [1, 1], strides = [1, 1]} : vector<16x1xf32> to vector<1x1xf32>
    %squeeze3A_292 = vector.extract %slice3A_291[0, 0] : f32 from vector<1x1xf32>
    %add3A_293 = arith.addf %reduce_sum3A_290, %squeeze3A_292 : f32
    %slice3A_294 = vector.extract_strided_slice %broadcast_in_dim3A_13 {offsets = [0, 96], sizes = [1, 16], strides = [1, 1]} : vector<1x256xf32> to vector<1x16xf32>
    %reduce_sum3A_295 = vector.shape_cast %slice3A_294 : vector<1x16xf32> to vector<1x1x16xf32>
    %reduce_sum3A_296 = arith.constant dense<0.000000e+00> : vector<1xf32>
    %reduce_sum3A_297 = vector.multi_reduction <add>, %reduce_sum3A_295, %reduce_sum3A_296 [1, 2] : vector<1x1x16xf32> to vector<1xf32>
    %reduce_sum3A_298 = vector.shape_cast %reduce_sum3A_297 : vector<1xf32> to vector<1x1x1xf32>
    %reduce_sum3A_299 = vector.extract %reduce_sum3A_298[0, 0, 0] : f32 from vector<1x1x1xf32>
    %slice3A_300 = vector.extract_strided_slice %broadcast_in_dim3A_39 {offsets = [6, 0], sizes = [1, 1], strides = [1, 1]} : vector<16x1xf32> to vector<1x1xf32>
    %squeeze3A_301 = vector.extract %slice3A_300[0, 0] : f32 from vector<1x1xf32>
    %add3A_302 = arith.addf %reduce_sum3A_299, %squeeze3A_301 : f32
    %max3A_303 = arith.constant 1.000000e+00 : f32
    %max3A_304 = arith.maximumf %add3A_284, %max3A_303 : f32
    %div3A_305 = arith.divf %add3A_293, %max3A_304 : f32
    %div3A_306 = arith.divf %add3A_302, %max3A_304 : f32
    %sub3A_307 = arith.subf %div3A_305, %div3A_306 : f32
    %abs3A_308 = math.absf %sub3A_307 : f32
    %mul3A_309 = arith.constant 5.96046448E-8 : f32
    %mul3A_310 = arith.mulf %add3A_284, %mul3A_309 : f32
    %mul3A_311 = arith.mulf %abs3A_308, %mul3A_310 : f32
    %gt3A_312 = arith.constant 0.000000e+00 : f32
    %gt3A_313 = arith.cmpf ogt, %add3A_284, %gt3A_312 : f32
    %jit3A_314 = arith.constant 0.000000e+00 : f32
    %select_n3A_315 = arith.select %gt3A_313, %mul3A_311, %jit3A_314 : f32
    %add3A_316 = arith.addf %add3A_275, %select_n3A_315 : f32
    %slice3A_317 = vector.extract_strided_slice %broadcast_in_dim3A {offsets = [0, 112], sizes = [1, 16], strides = [1, 1]} : vector<1x256xf32> to vector<1x16xf32>
    %reduce_sum3A_318 = vector.shape_cast %slice3A_317 : vector<1x16xf32> to vector<1x1x16xf32>
    %reduce_sum3A_319 = arith.constant dense<0.000000e+00> : vector<1xf32>
    %reduce_sum3A_320 = vector.multi_reduction <add>, %reduce_sum3A_318, %reduce_sum3A_319 [1, 2] : vector<1x1x16xf32> to vector<1xf32>
    %reduce_sum3A_321 = vector.shape_cast %reduce_sum3A_320 : vector<1xf32> to vector<1x1x1xf32>
    %reduce_sum3A_322 = vector.extract %reduce_sum3A_321[0, 0, 0] : f32 from vector<1x1x1xf32>
    %slice3A_323 = vector.extract_strided_slice %broadcast_in_dim3A_32 {offsets = [7, 0], sizes = [1, 1], strides = [1, 1]} : vector<16x1xf32> to vector<1x1xf32>
    %squeeze3A_324 = vector.extract %slice3A_323[0, 0] : f32 from vector<1x1xf32>
    %add3A_325 = arith.addf %reduce_sum3A_322, %squeeze3A_324 : f32
    %slice3A_326 = vector.extract_strided_slice %broadcast_in_dim3A_16 {offsets = [0, 112], sizes = [1, 16], strides = [1, 1]} : vector<1x256xf32> to vector<1x16xf32>
    %reduce_sum3A_327 = vector.shape_cast %slice3A_326 : vector<1x16xf32> to vector<1x1x16xf32>
    %reduce_sum3A_328 = arith.constant dense<0.000000e+00> : vector<1xf32>
    %reduce_sum3A_329 = vector.multi_reduction <add>, %reduce_sum3A_327, %reduce_sum3A_328 [1, 2] : vector<1x1x16xf32> to vector<1xf32>
    %reduce_sum3A_330 = vector.shape_cast %reduce_sum3A_329 : vector<1xf32> to vector<1x1x1xf32>
    %reduce_sum3A_331 = vector.extract %reduce_sum3A_330[0, 0, 0] : f32 from vector<1x1x1xf32>
    %slice3A_332 = vector.extract_strided_slice %broadcast_in_dim3A_25 {offsets = [7, 0], sizes = [1, 1], strides = [1, 1]} : vector<16x1xf32> to vector<1x1xf32>
    %squeeze3A_333 = vector.extract %slice3A_332[0, 0] : f32 from vector<1x1xf32>
    %add3A_334 = arith.addf %reduce_sum3A_331, %squeeze3A_333 : f32
    %slice3A_335 = vector.extract_strided_slice %broadcast_in_dim3A_13 {offsets = [0, 112], sizes = [1, 16], strides = [1, 1]} : vector<1x256xf32> to vector<1x16xf32>
    %reduce_sum3A_336 = vector.shape_cast %slice3A_335 : vector<1x16xf32> to vector<1x1x16xf32>
    %reduce_sum3A_337 = arith.constant dense<0.000000e+00> : vector<1xf32>
    %reduce_sum3A_338 = vector.multi_reduction <add>, %reduce_sum3A_336, %reduce_sum3A_337 [1, 2] : vector<1x1x16xf32> to vector<1xf32>
    %reduce_sum3A_339 = vector.shape_cast %reduce_sum3A_338 : vector<1xf32> to vector<1x1x1xf32>
    %reduce_sum3A_340 = vector.extract %reduce_sum3A_339[0, 0, 0] : f32 from vector<1x1x1xf32>
    %slice3A_341 = vector.extract_strided_slice %broadcast_in_dim3A_39 {offsets = [7, 0], sizes = [1, 1], strides = [1, 1]} : vector<16x1xf32> to vector<1x1xf32>
    %squeeze3A_342 = vector.extract %slice3A_341[0, 0] : f32 from vector<1x1xf32>
    %add3A_343 = arith.addf %reduce_sum3A_340, %squeeze3A_342 : f32
    %max3A_344 = arith.constant 1.000000e+00 : f32
    %max3A_345 = arith.maximumf %add3A_325, %max3A_344 : f32
    %div3A_346 = arith.divf %add3A_334, %max3A_345 : f32
    %div3A_347 = arith.divf %add3A_343, %max3A_345 : f32
    %sub3A_348 = arith.subf %div3A_346, %div3A_347 : f32
    %abs3A_349 = math.absf %sub3A_348 : f32
    %mul3A_350 = arith.constant 5.96046448E-8 : f32
    %mul3A_351 = arith.mulf %add3A_325, %mul3A_350 : f32
    %mul3A_352 = arith.mulf %abs3A_349, %mul3A_351 : f32
    %gt3A_353 = arith.constant 0.000000e+00 : f32
    %gt3A_354 = arith.cmpf ogt, %add3A_325, %gt3A_353 : f32
    %jit3A_355 = arith.constant 0.000000e+00 : f32
    %select_n3A_356 = arith.select %gt3A_354, %mul3A_352, %jit3A_355 : f32
    %add3A_357 = arith.addf %add3A_316, %select_n3A_356 : f32
    %slice3A_358 = vector.extract_strided_slice %broadcast_in_dim3A {offsets = [0, 128], sizes = [1, 16], strides = [1, 1]} : vector<1x256xf32> to vector<1x16xf32>
    %reduce_sum3A_359 = vector.shape_cast %slice3A_358 : vector<1x16xf32> to vector<1x1x16xf32>
    %reduce_sum3A_360 = arith.constant dense<0.000000e+00> : vector<1xf32>
    %reduce_sum3A_361 = vector.multi_reduction <add>, %reduce_sum3A_359, %reduce_sum3A_360 [1, 2] : vector<1x1x16xf32> to vector<1xf32>
    %reduce_sum3A_362 = vector.shape_cast %reduce_sum3A_361 : vector<1xf32> to vector<1x1x1xf32>
    %reduce_sum3A_363 = vector.extract %reduce_sum3A_362[0, 0, 0] : f32 from vector<1x1x1xf32>
    %slice3A_364 = vector.extract_strided_slice %broadcast_in_dim3A_32 {offsets = [8, 0], sizes = [1, 1], strides = [1, 1]} : vector<16x1xf32> to vector<1x1xf32>
    %squeeze3A_365 = vector.extract %slice3A_364[0, 0] : f32 from vector<1x1xf32>
    %add3A_366 = arith.addf %reduce_sum3A_363, %squeeze3A_365 : f32
    %slice3A_367 = vector.extract_strided_slice %broadcast_in_dim3A_16 {offsets = [0, 128], sizes = [1, 16], strides = [1, 1]} : vector<1x256xf32> to vector<1x16xf32>
    %reduce_sum3A_368 = vector.shape_cast %slice3A_367 : vector<1x16xf32> to vector<1x1x16xf32>
    %reduce_sum3A_369 = arith.constant dense<0.000000e+00> : vector<1xf32>
    %reduce_sum3A_370 = vector.multi_reduction <add>, %reduce_sum3A_368, %reduce_sum3A_369 [1, 2] : vector<1x1x16xf32> to vector<1xf32>
    %reduce_sum3A_371 = vector.shape_cast %reduce_sum3A_370 : vector<1xf32> to vector<1x1x1xf32>
    %reduce_sum3A_372 = vector.extract %reduce_sum3A_371[0, 0, 0] : f32 from vector<1x1x1xf32>
    %slice3A_373 = vector.extract_strided_slice %broadcast_in_dim3A_25 {offsets = [8, 0], sizes = [1, 1], strides = [1, 1]} : vector<16x1xf32> to vector<1x1xf32>
    %squeeze3A_374 = vector.extract %slice3A_373[0, 0] : f32 from vector<1x1xf32>
    %add3A_375 = arith.addf %reduce_sum3A_372, %squeeze3A_374 : f32
    %slice3A_376 = vector.extract_strided_slice %broadcast_in_dim3A_13 {offsets = [0, 128], sizes = [1, 16], strides = [1, 1]} : vector<1x256xf32> to vector<1x16xf32>
    %reduce_sum3A_377 = vector.shape_cast %slice3A_376 : vector<1x16xf32> to vector<1x1x16xf32>
    %reduce_sum3A_378 = arith.constant dense<0.000000e+00> : vector<1xf32>
    %reduce_sum3A_379 = vector.multi_reduction <add>, %reduce_sum3A_377, %reduce_sum3A_378 [1, 2] : vector<1x1x16xf32> to vector<1xf32>
    %reduce_sum3A_380 = vector.shape_cast %reduce_sum3A_379 : vector<1xf32> to vector<1x1x1xf32>
    %reduce_sum3A_381 = vector.extract %reduce_sum3A_380[0, 0, 0] : f32 from vector<1x1x1xf32>
    %slice3A_382 = vector.extract_strided_slice %broadcast_in_dim3A_39 {offsets = [8, 0], sizes = [1, 1], strides = [1, 1]} : vector<16x1xf32> to vector<1x1xf32>
    %squeeze3A_383 = vector.extract %slice3A_382[0, 0] : f32 from vector<1x1xf32>
    %add3A_384 = arith.addf %reduce_sum3A_381, %squeeze3A_383 : f32
    %max3A_385 = arith.constant 1.000000e+00 : f32
    %max3A_386 = arith.maximumf %add3A_366, %max3A_385 : f32
    %div3A_387 = arith.divf %add3A_375, %max3A_386 : f32
    %div3A_388 = arith.divf %add3A_384, %max3A_386 : f32
    %sub3A_389 = arith.subf %div3A_387, %div3A_388 : f32
    %abs3A_390 = math.absf %sub3A_389 : f32
    %mul3A_391 = arith.constant 5.96046448E-8 : f32
    %mul3A_392 = arith.mulf %add3A_366, %mul3A_391 : f32
    %mul3A_393 = arith.mulf %abs3A_390, %mul3A_392 : f32
    %gt3A_394 = arith.constant 0.000000e+00 : f32
    %gt3A_395 = arith.cmpf ogt, %add3A_366, %gt3A_394 : f32
    %jit3A_396 = arith.constant 0.000000e+00 : f32
    %select_n3A_397 = arith.select %gt3A_395, %mul3A_393, %jit3A_396 : f32
    %add3A_398 = arith.addf %add3A_357, %select_n3A_397 : f32
    %slice3A_399 = vector.extract_strided_slice %broadcast_in_dim3A {offsets = [0, 144], sizes = [1, 16], strides = [1, 1]} : vector<1x256xf32> to vector<1x16xf32>
    %reduce_sum3A_400 = vector.shape_cast %slice3A_399 : vector<1x16xf32> to vector<1x1x16xf32>
    %reduce_sum3A_401 = arith.constant dense<0.000000e+00> : vector<1xf32>
    %reduce_sum3A_402 = vector.multi_reduction <add>, %reduce_sum3A_400, %reduce_sum3A_401 [1, 2] : vector<1x1x16xf32> to vector<1xf32>
    %reduce_sum3A_403 = vector.shape_cast %reduce_sum3A_402 : vector<1xf32> to vector<1x1x1xf32>
    %reduce_sum3A_404 = vector.extract %reduce_sum3A_403[0, 0, 0] : f32 from vector<1x1x1xf32>
    %slice3A_405 = vector.extract_strided_slice %broadcast_in_dim3A_32 {offsets = [9, 0], sizes = [1, 1], strides = [1, 1]} : vector<16x1xf32> to vector<1x1xf32>
    %squeeze3A_406 = vector.extract %slice3A_405[0, 0] : f32 from vector<1x1xf32>
    %add3A_407 = arith.addf %reduce_sum3A_404, %squeeze3A_406 : f32
    %slice3A_408 = vector.extract_strided_slice %broadcast_in_dim3A_16 {offsets = [0, 144], sizes = [1, 16], strides = [1, 1]} : vector<1x256xf32> to vector<1x16xf32>
    %reduce_sum3A_409 = vector.shape_cast %slice3A_408 : vector<1x16xf32> to vector<1x1x16xf32>
    %reduce_sum3A_410 = arith.constant dense<0.000000e+00> : vector<1xf32>
    %reduce_sum3A_411 = vector.multi_reduction <add>, %reduce_sum3A_409, %reduce_sum3A_410 [1, 2] : vector<1x1x16xf32> to vector<1xf32>
    %reduce_sum3A_412 = vector.shape_cast %reduce_sum3A_411 : vector<1xf32> to vector<1x1x1xf32>
    %reduce_sum3A_413 = vector.extract %reduce_sum3A_412[0, 0, 0] : f32 from vector<1x1x1xf32>
    %slice3A_414 = vector.extract_strided_slice %broadcast_in_dim3A_25 {offsets = [9, 0], sizes = [1, 1], strides = [1, 1]} : vector<16x1xf32> to vector<1x1xf32>
    %squeeze3A_415 = vector.extract %slice3A_414[0, 0] : f32 from vector<1x1xf32>
    %add3A_416 = arith.addf %reduce_sum3A_413, %squeeze3A_415 : f32
    %slice3A_417 = vector.extract_strided_slice %broadcast_in_dim3A_13 {offsets = [0, 144], sizes = [1, 16], strides = [1, 1]} : vector<1x256xf32> to vector<1x16xf32>
    %reduce_sum3A_418 = vector.shape_cast %slice3A_417 : vector<1x16xf32> to vector<1x1x16xf32>
    %reduce_sum3A_419 = arith.constant dense<0.000000e+00> : vector<1xf32>
    %reduce_sum3A_420 = vector.multi_reduction <add>, %reduce_sum3A_418, %reduce_sum3A_419 [1, 2] : vector<1x1x16xf32> to vector<1xf32>
    %reduce_sum3A_421 = vector.shape_cast %reduce_sum3A_420 : vector<1xf32> to vector<1x1x1xf32>
    %reduce_sum3A_422 = vector.extract %reduce_sum3A_421[0, 0, 0] : f32 from vector<1x1x1xf32>
    %slice3A_423 = vector.extract_strided_slice %broadcast_in_dim3A_39 {offsets = [9, 0], sizes = [1, 1], strides = [1, 1]} : vector<16x1xf32> to vector<1x1xf32>
    %squeeze3A_424 = vector.extract %slice3A_423[0, 0] : f32 from vector<1x1xf32>
    %add3A_425 = arith.addf %reduce_sum3A_422, %squeeze3A_424 : f32
    %max3A_426 = arith.constant 1.000000e+00 : f32
    %max3A_427 = arith.maximumf %add3A_407, %max3A_426 : f32
    %div3A_428 = arith.divf %add3A_416, %max3A_427 : f32
    %div3A_429 = arith.divf %add3A_425, %max3A_427 : f32
    %sub3A_430 = arith.subf %div3A_428, %div3A_429 : f32
    %abs3A_431 = math.absf %sub3A_430 : f32
    %mul3A_432 = arith.constant 5.96046448E-8 : f32
    %mul3A_433 = arith.mulf %add3A_407, %mul3A_432 : f32
    %mul3A_434 = arith.mulf %abs3A_431, %mul3A_433 : f32
    %gt3A_435 = arith.constant 0.000000e+00 : f32
    %gt3A_436 = arith.cmpf ogt, %add3A_407, %gt3A_435 : f32
    %jit3A_437 = arith.constant 0.000000e+00 : f32
    %select_n3A_438 = arith.select %gt3A_436, %mul3A_434, %jit3A_437 : f32
    %add3A_439 = arith.addf %add3A_398, %select_n3A_438 : f32
    %slice3A_440 = vector.extract_strided_slice %broadcast_in_dim3A {offsets = [0, 160], sizes = [1, 16], strides = [1, 1]} : vector<1x256xf32> to vector<1x16xf32>
    %reduce_sum3A_441 = vector.shape_cast %slice3A_440 : vector<1x16xf32> to vector<1x1x16xf32>
    %reduce_sum3A_442 = arith.constant dense<0.000000e+00> : vector<1xf32>
    %reduce_sum3A_443 = vector.multi_reduction <add>, %reduce_sum3A_441, %reduce_sum3A_442 [1, 2] : vector<1x1x16xf32> to vector<1xf32>
    %reduce_sum3A_444 = vector.shape_cast %reduce_sum3A_443 : vector<1xf32> to vector<1x1x1xf32>
    %reduce_sum3A_445 = vector.extract %reduce_sum3A_444[0, 0, 0] : f32 from vector<1x1x1xf32>
    %slice3A_446 = vector.extract_strided_slice %broadcast_in_dim3A_32 {offsets = [10, 0], sizes = [1, 1], strides = [1, 1]} : vector<16x1xf32> to vector<1x1xf32>
    %squeeze3A_447 = vector.extract %slice3A_446[0, 0] : f32 from vector<1x1xf32>
    %add3A_448 = arith.addf %reduce_sum3A_445, %squeeze3A_447 : f32
    %slice3A_449 = vector.extract_strided_slice %broadcast_in_dim3A_16 {offsets = [0, 160], sizes = [1, 16], strides = [1, 1]} : vector<1x256xf32> to vector<1x16xf32>
    %reduce_sum3A_450 = vector.shape_cast %slice3A_449 : vector<1x16xf32> to vector<1x1x16xf32>
    %reduce_sum3A_451 = arith.constant dense<0.000000e+00> : vector<1xf32>
    %reduce_sum3A_452 = vector.multi_reduction <add>, %reduce_sum3A_450, %reduce_sum3A_451 [1, 2] : vector<1x1x16xf32> to vector<1xf32>
    %reduce_sum3A_453 = vector.shape_cast %reduce_sum3A_452 : vector<1xf32> to vector<1x1x1xf32>
    %reduce_sum3A_454 = vector.extract %reduce_sum3A_453[0, 0, 0] : f32 from vector<1x1x1xf32>
    %slice3A_455 = vector.extract_strided_slice %broadcast_in_dim3A_25 {offsets = [10, 0], sizes = [1, 1], strides = [1, 1]} : vector<16x1xf32> to vector<1x1xf32>
    %squeeze3A_456 = vector.extract %slice3A_455[0, 0] : f32 from vector<1x1xf32>
    %add3A_457 = arith.addf %reduce_sum3A_454, %squeeze3A_456 : f32
    %slice3A_458 = vector.extract_strided_slice %broadcast_in_dim3A_13 {offsets = [0, 160], sizes = [1, 16], strides = [1, 1]} : vector<1x256xf32> to vector<1x16xf32>
    %reduce_sum3A_459 = vector.shape_cast %slice3A_458 : vector<1x16xf32> to vector<1x1x16xf32>
    %reduce_sum3A_460 = arith.constant dense<0.000000e+00> : vector<1xf32>
    %reduce_sum3A_461 = vector.multi_reduction <add>, %reduce_sum3A_459, %reduce_sum3A_460 [1, 2] : vector<1x1x16xf32> to vector<1xf32>
    %reduce_sum3A_462 = vector.shape_cast %reduce_sum3A_461 : vector<1xf32> to vector<1x1x1xf32>
    %reduce_sum3A_463 = vector.extract %reduce_sum3A_462[0, 0, 0] : f32 from vector<1x1x1xf32>
    %slice3A_464 = vector.extract_strided_slice %broadcast_in_dim3A_39 {offsets = [10, 0], sizes = [1, 1], strides = [1, 1]} : vector<16x1xf32> to vector<1x1xf32>
    %squeeze3A_465 = vector.extract %slice3A_464[0, 0] : f32 from vector<1x1xf32>
    %add3A_466 = arith.addf %reduce_sum3A_463, %squeeze3A_465 : f32
    %max3A_467 = arith.constant 1.000000e+00 : f32
    %max3A_468 = arith.maximumf %add3A_448, %max3A_467 : f32
    %div3A_469 = arith.divf %add3A_457, %max3A_468 : f32
    %div3A_470 = arith.divf %add3A_466, %max3A_468 : f32
    %sub3A_471 = arith.subf %div3A_469, %div3A_470 : f32
    %abs3A_472 = math.absf %sub3A_471 : f32
    %mul3A_473 = arith.constant 5.96046448E-8 : f32
    %mul3A_474 = arith.mulf %add3A_448, %mul3A_473 : f32
    %mul3A_475 = arith.mulf %abs3A_472, %mul3A_474 : f32
    %gt3A_476 = arith.constant 0.000000e+00 : f32
    %gt3A_477 = arith.cmpf ogt, %add3A_448, %gt3A_476 : f32
    %jit3A_478 = arith.constant 0.000000e+00 : f32
    %select_n3A_479 = arith.select %gt3A_477, %mul3A_475, %jit3A_478 : f32
    %add3A_480 = arith.addf %add3A_439, %select_n3A_479 : f32
    %slice3A_481 = vector.extract_strided_slice %broadcast_in_dim3A {offsets = [0, 176], sizes = [1, 16], strides = [1, 1]} : vector<1x256xf32> to vector<1x16xf32>
    %reduce_sum3A_482 = vector.shape_cast %slice3A_481 : vector<1x16xf32> to vector<1x1x16xf32>
    %reduce_sum3A_483 = arith.constant dense<0.000000e+00> : vector<1xf32>
    %reduce_sum3A_484 = vector.multi_reduction <add>, %reduce_sum3A_482, %reduce_sum3A_483 [1, 2] : vector<1x1x16xf32> to vector<1xf32>
    %reduce_sum3A_485 = vector.shape_cast %reduce_sum3A_484 : vector<1xf32> to vector<1x1x1xf32>
    %reduce_sum3A_486 = vector.extract %reduce_sum3A_485[0, 0, 0] : f32 from vector<1x1x1xf32>
    %slice3A_487 = vector.extract_strided_slice %broadcast_in_dim3A_32 {offsets = [11, 0], sizes = [1, 1], strides = [1, 1]} : vector<16x1xf32> to vector<1x1xf32>
    %squeeze3A_488 = vector.extract %slice3A_487[0, 0] : f32 from vector<1x1xf32>
    %add3A_489 = arith.addf %reduce_sum3A_486, %squeeze3A_488 : f32
    %slice3A_490 = vector.extract_strided_slice %broadcast_in_dim3A_16 {offsets = [0, 176], sizes = [1, 16], strides = [1, 1]} : vector<1x256xf32> to vector<1x16xf32>
    %reduce_sum3A_491 = vector.shape_cast %slice3A_490 : vector<1x16xf32> to vector<1x1x16xf32>
    %reduce_sum3A_492 = arith.constant dense<0.000000e+00> : vector<1xf32>
    %reduce_sum3A_493 = vector.multi_reduction <add>, %reduce_sum3A_491, %reduce_sum3A_492 [1, 2] : vector<1x1x16xf32> to vector<1xf32>
    %reduce_sum3A_494 = vector.shape_cast %reduce_sum3A_493 : vector<1xf32> to vector<1x1x1xf32>
    %reduce_sum3A_495 = vector.extract %reduce_sum3A_494[0, 0, 0] : f32 from vector<1x1x1xf32>
    %slice3A_496 = vector.extract_strided_slice %broadcast_in_dim3A_25 {offsets = [11, 0], sizes = [1, 1], strides = [1, 1]} : vector<16x1xf32> to vector<1x1xf32>
    %squeeze3A_497 = vector.extract %slice3A_496[0, 0] : f32 from vector<1x1xf32>
    %add3A_498 = arith.addf %reduce_sum3A_495, %squeeze3A_497 : f32
    %slice3A_499 = vector.extract_strided_slice %broadcast_in_dim3A_13 {offsets = [0, 176], sizes = [1, 16], strides = [1, 1]} : vector<1x256xf32> to vector<1x16xf32>
    %reduce_sum3A_500 = vector.shape_cast %slice3A_499 : vector<1x16xf32> to vector<1x1x16xf32>
    %reduce_sum3A_501 = arith.constant dense<0.000000e+00> : vector<1xf32>
    %reduce_sum3A_502 = vector.multi_reduction <add>, %reduce_sum3A_500, %reduce_sum3A_501 [1, 2] : vector<1x1x16xf32> to vector<1xf32>
    %reduce_sum3A_503 = vector.shape_cast %reduce_sum3A_502 : vector<1xf32> to vector<1x1x1xf32>
    %reduce_sum3A_504 = vector.extract %reduce_sum3A_503[0, 0, 0] : f32 from vector<1x1x1xf32>
    %slice3A_505 = vector.extract_strided_slice %broadcast_in_dim3A_39 {offsets = [11, 0], sizes = [1, 1], strides = [1, 1]} : vector<16x1xf32> to vector<1x1xf32>
    %squeeze3A_506 = vector.extract %slice3A_505[0, 0] : f32 from vector<1x1xf32>
    %add3A_507 = arith.addf %reduce_sum3A_504, %squeeze3A_506 : f32
    %max3A_508 = arith.constant 1.000000e+00 : f32
    %max3A_509 = arith.maximumf %add3A_489, %max3A_508 : f32
    %div3A_510 = arith.divf %add3A_498, %max3A_509 : f32
    %div3A_511 = arith.divf %add3A_507, %max3A_509 : f32
    %sub3A_512 = arith.subf %div3A_510, %div3A_511 : f32
    %abs3A_513 = math.absf %sub3A_512 : f32
    %mul3A_514 = arith.constant 5.96046448E-8 : f32
    %mul3A_515 = arith.mulf %add3A_489, %mul3A_514 : f32
    %mul3A_516 = arith.mulf %abs3A_513, %mul3A_515 : f32
    %gt3A_517 = arith.constant 0.000000e+00 : f32
    %gt3A_518 = arith.cmpf ogt, %add3A_489, %gt3A_517 : f32
    %jit3A_519 = arith.constant 0.000000e+00 : f32
    %select_n3A_520 = arith.select %gt3A_518, %mul3A_516, %jit3A_519 : f32
    %add3A_521 = arith.addf %add3A_480, %select_n3A_520 : f32
    %slice3A_522 = vector.extract_strided_slice %broadcast_in_dim3A {offsets = [0, 192], sizes = [1, 16], strides = [1, 1]} : vector<1x256xf32> to vector<1x16xf32>
    %reduce_sum3A_523 = vector.shape_cast %slice3A_522 : vector<1x16xf32> to vector<1x1x16xf32>
    %reduce_sum3A_524 = arith.constant dense<0.000000e+00> : vector<1xf32>
    %reduce_sum3A_525 = vector.multi_reduction <add>, %reduce_sum3A_523, %reduce_sum3A_524 [1, 2] : vector<1x1x16xf32> to vector<1xf32>
    %reduce_sum3A_526 = vector.shape_cast %reduce_sum3A_525 : vector<1xf32> to vector<1x1x1xf32>
    %reduce_sum3A_527 = vector.extract %reduce_sum3A_526[0, 0, 0] : f32 from vector<1x1x1xf32>
    %slice3A_528 = vector.extract_strided_slice %broadcast_in_dim3A_32 {offsets = [12, 0], sizes = [1, 1], strides = [1, 1]} : vector<16x1xf32> to vector<1x1xf32>
    %squeeze3A_529 = vector.extract %slice3A_528[0, 0] : f32 from vector<1x1xf32>
    %add3A_530 = arith.addf %reduce_sum3A_527, %squeeze3A_529 : f32
    %slice3A_531 = vector.extract_strided_slice %broadcast_in_dim3A_16 {offsets = [0, 192], sizes = [1, 16], strides = [1, 1]} : vector<1x256xf32> to vector<1x16xf32>
    %reduce_sum3A_532 = vector.shape_cast %slice3A_531 : vector<1x16xf32> to vector<1x1x16xf32>
    %reduce_sum3A_533 = arith.constant dense<0.000000e+00> : vector<1xf32>
    %reduce_sum3A_534 = vector.multi_reduction <add>, %reduce_sum3A_532, %reduce_sum3A_533 [1, 2] : vector<1x1x16xf32> to vector<1xf32>
    %reduce_sum3A_535 = vector.shape_cast %reduce_sum3A_534 : vector<1xf32> to vector<1x1x1xf32>
    %reduce_sum3A_536 = vector.extract %reduce_sum3A_535[0, 0, 0] : f32 from vector<1x1x1xf32>
    %slice3A_537 = vector.extract_strided_slice %broadcast_in_dim3A_25 {offsets = [12, 0], sizes = [1, 1], strides = [1, 1]} : vector<16x1xf32> to vector<1x1xf32>
    %squeeze3A_538 = vector.extract %slice3A_537[0, 0] : f32 from vector<1x1xf32>
    %add3A_539 = arith.addf %reduce_sum3A_536, %squeeze3A_538 : f32
    %slice3A_540 = vector.extract_strided_slice %broadcast_in_dim3A_13 {offsets = [0, 192], sizes = [1, 16], strides = [1, 1]} : vector<1x256xf32> to vector<1x16xf32>
    %reduce_sum3A_541 = vector.shape_cast %slice3A_540 : vector<1x16xf32> to vector<1x1x16xf32>
    %reduce_sum3A_542 = arith.constant dense<0.000000e+00> : vector<1xf32>
    %reduce_sum3A_543 = vector.multi_reduction <add>, %reduce_sum3A_541, %reduce_sum3A_542 [1, 2] : vector<1x1x16xf32> to vector<1xf32>
    %reduce_sum3A_544 = vector.shape_cast %reduce_sum3A_543 : vector<1xf32> to vector<1x1x1xf32>
    %reduce_sum3A_545 = vector.extract %reduce_sum3A_544[0, 0, 0] : f32 from vector<1x1x1xf32>
    %slice3A_546 = vector.extract_strided_slice %broadcast_in_dim3A_39 {offsets = [12, 0], sizes = [1, 1], strides = [1, 1]} : vector<16x1xf32> to vector<1x1xf32>
    %squeeze3A_547 = vector.extract %slice3A_546[0, 0] : f32 from vector<1x1xf32>
    %add3A_548 = arith.addf %reduce_sum3A_545, %squeeze3A_547 : f32
    %max3A_549 = arith.constant 1.000000e+00 : f32
    %max3A_550 = arith.maximumf %add3A_530, %max3A_549 : f32
    %div3A_551 = arith.divf %add3A_539, %max3A_550 : f32
    %div3A_552 = arith.divf %add3A_548, %max3A_550 : f32
    %sub3A_553 = arith.subf %div3A_551, %div3A_552 : f32
    %abs3A_554 = math.absf %sub3A_553 : f32
    %mul3A_555 = arith.constant 5.96046448E-8 : f32
    %mul3A_556 = arith.mulf %add3A_530, %mul3A_555 : f32
    %mul3A_557 = arith.mulf %abs3A_554, %mul3A_556 : f32
    %gt3A_558 = arith.constant 0.000000e+00 : f32
    %gt3A_559 = arith.cmpf ogt, %add3A_530, %gt3A_558 : f32
    %jit3A_560 = arith.constant 0.000000e+00 : f32
    %select_n3A_561 = arith.select %gt3A_559, %mul3A_557, %jit3A_560 : f32
    %add3A_562 = arith.addf %add3A_521, %select_n3A_561 : f32
    %slice3A_563 = vector.extract_strided_slice %broadcast_in_dim3A {offsets = [0, 208], sizes = [1, 16], strides = [1, 1]} : vector<1x256xf32> to vector<1x16xf32>
    %reduce_sum3A_564 = vector.shape_cast %slice3A_563 : vector<1x16xf32> to vector<1x1x16xf32>
    %reduce_sum3A_565 = arith.constant dense<0.000000e+00> : vector<1xf32>
    %reduce_sum3A_566 = vector.multi_reduction <add>, %reduce_sum3A_564, %reduce_sum3A_565 [1, 2] : vector<1x1x16xf32> to vector<1xf32>
    %reduce_sum3A_567 = vector.shape_cast %reduce_sum3A_566 : vector<1xf32> to vector<1x1x1xf32>
    %reduce_sum3A_568 = vector.extract %reduce_sum3A_567[0, 0, 0] : f32 from vector<1x1x1xf32>
    %slice3A_569 = vector.extract_strided_slice %broadcast_in_dim3A_32 {offsets = [13, 0], sizes = [1, 1], strides = [1, 1]} : vector<16x1xf32> to vector<1x1xf32>
    %squeeze3A_570 = vector.extract %slice3A_569[0, 0] : f32 from vector<1x1xf32>
    %add3A_571 = arith.addf %reduce_sum3A_568, %squeeze3A_570 : f32
    %slice3A_572 = vector.extract_strided_slice %broadcast_in_dim3A_16 {offsets = [0, 208], sizes = [1, 16], strides = [1, 1]} : vector<1x256xf32> to vector<1x16xf32>
    %reduce_sum3A_573 = vector.shape_cast %slice3A_572 : vector<1x16xf32> to vector<1x1x16xf32>
    %reduce_sum3A_574 = arith.constant dense<0.000000e+00> : vector<1xf32>
    %reduce_sum3A_575 = vector.multi_reduction <add>, %reduce_sum3A_573, %reduce_sum3A_574 [1, 2] : vector<1x1x16xf32> to vector<1xf32>
    %reduce_sum3A_576 = vector.shape_cast %reduce_sum3A_575 : vector<1xf32> to vector<1x1x1xf32>
    %reduce_sum3A_577 = vector.extract %reduce_sum3A_576[0, 0, 0] : f32 from vector<1x1x1xf32>
    %slice3A_578 = vector.extract_strided_slice %broadcast_in_dim3A_25 {offsets = [13, 0], sizes = [1, 1], strides = [1, 1]} : vector<16x1xf32> to vector<1x1xf32>
    %squeeze3A_579 = vector.extract %slice3A_578[0, 0] : f32 from vector<1x1xf32>
    %add3A_580 = arith.addf %reduce_sum3A_577, %squeeze3A_579 : f32
    %slice3A_581 = vector.extract_strided_slice %broadcast_in_dim3A_13 {offsets = [0, 208], sizes = [1, 16], strides = [1, 1]} : vector<1x256xf32> to vector<1x16xf32>
    %reduce_sum3A_582 = vector.shape_cast %slice3A_581 : vector<1x16xf32> to vector<1x1x16xf32>
    %reduce_sum3A_583 = arith.constant dense<0.000000e+00> : vector<1xf32>
    %reduce_sum3A_584 = vector.multi_reduction <add>, %reduce_sum3A_582, %reduce_sum3A_583 [1, 2] : vector<1x1x16xf32> to vector<1xf32>
    %reduce_sum3A_585 = vector.shape_cast %reduce_sum3A_584 : vector<1xf32> to vector<1x1x1xf32>
    %reduce_sum3A_586 = vector.extract %reduce_sum3A_585[0, 0, 0] : f32 from vector<1x1x1xf32>
    %slice3A_587 = vector.extract_strided_slice %broadcast_in_dim3A_39 {offsets = [13, 0], sizes = [1, 1], strides = [1, 1]} : vector<16x1xf32> to vector<1x1xf32>
    %squeeze3A_588 = vector.extract %slice3A_587[0, 0] : f32 from vector<1x1xf32>
    %add3A_589 = arith.addf %reduce_sum3A_586, %squeeze3A_588 : f32
    %max3A_590 = arith.constant 1.000000e+00 : f32
    %max3A_591 = arith.maximumf %add3A_571, %max3A_590 : f32
    %div3A_592 = arith.divf %add3A_580, %max3A_591 : f32
    %div3A_593 = arith.divf %add3A_589, %max3A_591 : f32
    %sub3A_594 = arith.subf %div3A_592, %div3A_593 : f32
    %abs3A_595 = math.absf %sub3A_594 : f32
    %mul3A_596 = arith.constant 5.96046448E-8 : f32
    %mul3A_597 = arith.mulf %add3A_571, %mul3A_596 : f32
    %mul3A_598 = arith.mulf %abs3A_595, %mul3A_597 : f32
    %gt3A_599 = arith.constant 0.000000e+00 : f32
    %gt3A_600 = arith.cmpf ogt, %add3A_571, %gt3A_599 : f32
    %jit3A_601 = arith.constant 0.000000e+00 : f32
    %select_n3A_602 = arith.select %gt3A_600, %mul3A_598, %jit3A_601 : f32
    %add3A_603 = arith.addf %add3A_562, %select_n3A_602 : f32
    %slice3A_604 = vector.extract_strided_slice %broadcast_in_dim3A {offsets = [0, 224], sizes = [1, 16], strides = [1, 1]} : vector<1x256xf32> to vector<1x16xf32>
    %reduce_sum3A_605 = vector.shape_cast %slice3A_604 : vector<1x16xf32> to vector<1x1x16xf32>
    %reduce_sum3A_606 = arith.constant dense<0.000000e+00> : vector<1xf32>
    %reduce_sum3A_607 = vector.multi_reduction <add>, %reduce_sum3A_605, %reduce_sum3A_606 [1, 2] : vector<1x1x16xf32> to vector<1xf32>
    %reduce_sum3A_608 = vector.shape_cast %reduce_sum3A_607 : vector<1xf32> to vector<1x1x1xf32>
    %reduce_sum3A_609 = vector.extract %reduce_sum3A_608[0, 0, 0] : f32 from vector<1x1x1xf32>
    %slice3A_610 = vector.extract_strided_slice %broadcast_in_dim3A_32 {offsets = [14, 0], sizes = [1, 1], strides = [1, 1]} : vector<16x1xf32> to vector<1x1xf32>
    %squeeze3A_611 = vector.extract %slice3A_610[0, 0] : f32 from vector<1x1xf32>
    %add3A_612 = arith.addf %reduce_sum3A_609, %squeeze3A_611 : f32
    %slice3A_613 = vector.extract_strided_slice %broadcast_in_dim3A_16 {offsets = [0, 224], sizes = [1, 16], strides = [1, 1]} : vector<1x256xf32> to vector<1x16xf32>
    %reduce_sum3A_614 = vector.shape_cast %slice3A_613 : vector<1x16xf32> to vector<1x1x16xf32>
    %reduce_sum3A_615 = arith.constant dense<0.000000e+00> : vector<1xf32>
    %reduce_sum3A_616 = vector.multi_reduction <add>, %reduce_sum3A_614, %reduce_sum3A_615 [1, 2] : vector<1x1x16xf32> to vector<1xf32>
    %reduce_sum3A_617 = vector.shape_cast %reduce_sum3A_616 : vector<1xf32> to vector<1x1x1xf32>
    %reduce_sum3A_618 = vector.extract %reduce_sum3A_617[0, 0, 0] : f32 from vector<1x1x1xf32>
    %slice3A_619 = vector.extract_strided_slice %broadcast_in_dim3A_25 {offsets = [14, 0], sizes = [1, 1], strides = [1, 1]} : vector<16x1xf32> to vector<1x1xf32>
    %squeeze3A_620 = vector.extract %slice3A_619[0, 0] : f32 from vector<1x1xf32>
    %add3A_621 = arith.addf %reduce_sum3A_618, %squeeze3A_620 : f32
    %slice3A_622 = vector.extract_strided_slice %broadcast_in_dim3A_13 {offsets = [0, 224], sizes = [1, 16], strides = [1, 1]} : vector<1x256xf32> to vector<1x16xf32>
    %reduce_sum3A_623 = vector.shape_cast %slice3A_622 : vector<1x16xf32> to vector<1x1x16xf32>
    %reduce_sum3A_624 = arith.constant dense<0.000000e+00> : vector<1xf32>
    %reduce_sum3A_625 = vector.multi_reduction <add>, %reduce_sum3A_623, %reduce_sum3A_624 [1, 2] : vector<1x1x16xf32> to vector<1xf32>
    %reduce_sum3A_626 = vector.shape_cast %reduce_sum3A_625 : vector<1xf32> to vector<1x1x1xf32>
    %reduce_sum3A_627 = vector.extract %reduce_sum3A_626[0, 0, 0] : f32 from vector<1x1x1xf32>
    %slice3A_628 = vector.extract_strided_slice %broadcast_in_dim3A_39 {offsets = [14, 0], sizes = [1, 1], strides = [1, 1]} : vector<16x1xf32> to vector<1x1xf32>
    %squeeze3A_629 = vector.extract %slice3A_628[0, 0] : f32 from vector<1x1xf32>
    %add3A_630 = arith.addf %reduce_sum3A_627, %squeeze3A_629 : f32
    %max3A_631 = arith.constant 1.000000e+00 : f32
    %max3A_632 = arith.maximumf %add3A_612, %max3A_631 : f32
    %div3A_633 = arith.divf %add3A_621, %max3A_632 : f32
    %div3A_634 = arith.divf %add3A_630, %max3A_632 : f32
    %sub3A_635 = arith.subf %div3A_633, %div3A_634 : f32
    %abs3A_636 = math.absf %sub3A_635 : f32
    %mul3A_637 = arith.constant 5.96046448E-8 : f32
    %mul3A_638 = arith.mulf %add3A_612, %mul3A_637 : f32
    %mul3A_639 = arith.mulf %abs3A_636, %mul3A_638 : f32
    %gt3A_640 = arith.constant 0.000000e+00 : f32
    %gt3A_641 = arith.cmpf ogt, %add3A_612, %gt3A_640 : f32
    %jit3A_642 = arith.constant 0.000000e+00 : f32
    %select_n3A_643 = arith.select %gt3A_641, %mul3A_639, %jit3A_642 : f32
    %add3A_644 = arith.addf %add3A_603, %select_n3A_643 : f32
    %swap3A = arith.constant 0 : index
    %swap3A_645 = arith.constant 0 : index
    %swap3A_646 = memref.load %arg4[%swap3A, %swap3A_645] : memref<1x1xf32, #tpu.memory_space<smem>>
    memref.store %add3A_644, %arg4[%swap3A, %swap3A_645] : memref<1x1xf32, #tpu.memory_space<smem>>
    return
  }
}

module attributes {stable_mosaic.version = 14 : i64} {
  func.func @body(%arg0: i32, %arg1: memref<128x8x128xf32, #tpu.memory_space<vmem>>, %arg2: memref<128x8x128xi32, #tpu.memory_space<vmem>>, %arg3: memref<16x8x128xf32, #tpu.memory_space<vmem>>, %arg4: memref<16x8x128xi32, #tpu.memory_space<vmem>>) attributes {dimension_semantics = [#tpu.dimension_semantics<arbitrary>], iteration_bounds = array<i64: 36>, scalar_prefetch = 0 : i64, scratch_operands = 0 : i64, tpu.core_type = #tpu.core_type<tc>, window_params = [{transform_indices = @transform_0, window_bounds = array<i64: 128, 8, 128>}, {transform_indices = @transform_1, window_bounds = array<i64: 128, 8, 128>}, {pipeline_mode = #tpu.pipeline_mode<synchronous>, transform_indices = @transform_2, window_bounds = array<i64: 16, 8, 128>}, {pipeline_mode = #tpu.pipeline_mode<synchronous>, transform_indices = @transform_3, window_bounds = array<i64: 16, 8, 128>}]} {
    %eq3A = arith.constant 0 : i32
    %eq3A_0 = arith.cmpi eq, %arg0, %eq3A : i32
    %convert_element_type3A = arith.extui %eq3A_0 : i1 to i32
    %cond3A = arith.constant 0 : i32
    %cond3A_1 = arith.cmpi ne, %convert_element_type3A, %cond3A : i32
    scf.if %cond3A_1 {
      %broadcast_in_dim3A_514 = arith.constant 0.000000e+00 : f32
      %broadcast_in_dim3A_515 = vector.broadcast %broadcast_in_dim3A_514 : f32 to vector<16x8x128xf32>
      %swap3A_516 = arith.constant 0 : index
      %swap3A_517 = arith.constant 0 : index
      %swap3A_518 = arith.constant 0 : index
      %swap3A_519 = vector.load %arg3[%swap3A_516, %swap3A_517, %swap3A_518] : memref<16x8x128xf32, #tpu.memory_space<vmem>>, vector<16x8x128xf32>
      tpu.vector_store %arg3[%swap3A_516, %swap3A_517, %swap3A_518], %broadcast_in_dim3A_515 {strides = array<i32>} : memref<16x8x128xf32, #tpu.memory_space<vmem>>, vector<16x8x128xf32>,
      %broadcast_in_dim3A_520 = arith.constant 0 : i32
      %broadcast_in_dim3A_521 = vector.broadcast %broadcast_in_dim3A_520 : i32 to vector<16x8x128xi32>
      %swap3A_522 = arith.constant 0 : index
      %swap3A_523 = arith.constant 0 : index
      %swap3A_524 = arith.constant 0 : index
      %swap3A_525 = vector.load %arg4[%swap3A_522, %swap3A_523, %swap3A_524] : memref<16x8x128xi32, #tpu.memory_space<vmem>>, vector<16x8x128xi32>
      tpu.vector_store %arg4[%swap3A_522, %swap3A_523, %swap3A_524], %broadcast_in_dim3A_521 {strides = array<i32>} : memref<16x8x128xi32, #tpu.memory_space<vmem>>, vector<16x8x128xi32>,
    } else {
    }
    %get3A = arith.constant 0 : index
    %get3A_2 = arith.constant 0 : index
    %get3A_3 = arith.constant 0 : index
    %get3A_4 = vector.load %arg1[%get3A, %get3A_2, %get3A_3] : memref<128x8x128xf32, #tpu.memory_space<vmem>>, vector<128x8x128xf32>
    %get3A_5 = arith.constant 0 : index
    %get3A_6 = arith.constant 0 : index
    %get3A_7 = arith.constant 0 : index
    %get3A_8 = vector.load %arg2[%get3A_5, %get3A_6, %get3A_7] : memref<128x8x128xi32, #tpu.memory_space<vmem>>, vector<128x8x128xi32>
    %mul3A = arith.constant 1.500000e+01 : f32
    %mul3A_9 = vector.broadcast %mul3A : f32 to vector<128x8x128xf32>
    %mul3A_10 = arith.mulf %get3A_4, %mul3A_9 : vector<128x8x128xf32>
    %convert_element_type3A_11 = arith.fptosi %mul3A_10 : vector<128x8x128xf32> to vector<128x8x128xi32>
    %gt3A = arith.constant 0.000000e+00 : f32
    %gt3A_12 = vector.broadcast %gt3A : f32 to vector<128x8x128xf32>
    %gt3A_13 = arith.cmpf ogt, %get3A_4, %gt3A_12 : vector<128x8x128xf32>
    %jit3A = arith.constant 15 : i32
    %broadcast_in_dim3A = vector.broadcast %jit3A : i32 to vector<128x8x128xi32>
    %select_n3A = arith.select %gt3A_13, %convert_element_type3A_11, %broadcast_in_dim3A : vector<128x8x128xi1>, vector<128x8x128xi32>
    %shift_left3A = arith.constant 16 : i32
    %shift_left3A_14 = vector.broadcast %shift_left3A : i32 to vector<128x8x128xi32>
    %shift_left3A_15 = arith.shli %get3A_8, %shift_left3A_14 : vector<128x8x128xi32>
    %or3A = arith.constant 1 : i32
    %or3A_16 = vector.broadcast %or3A : i32 to vector<128x8x128xi32>
    %or3A_17 = arith.ori %shift_left3A_15, %or3A_16 : vector<128x8x128xi32>
    %broadcast_in_dim3A_18 = arith.constant 0 : i32
    %broadcast_in_dim3A_19 = vector.broadcast %broadcast_in_dim3A_18 : i32 to vector<128x8x128xi32>
    %broadcast_in_dim3A_20 = arith.constant 0.000000e+00 : f32
    %broadcast_in_dim3A_21 = vector.broadcast %broadcast_in_dim3A_20 : f32 to vector<128x8x128xf32>
    %eq3A_22 = arith.constant 0 : i32
    %eq3A_23 = vector.broadcast %eq3A_22 : i32 to vector<128x8x128xi32>
    %eq3A_24 = arith.cmpi eq, %select_n3A, %eq3A_23 : vector<128x8x128xi32>
    %get3A_25 = arith.constant 0 : index
    %get3A_26 = arith.constant 0 : index
    %get3A_27 = arith.constant 0 : index
    %get3A_28 = vector.load %arg3[%get3A_25, %get3A_26, %get3A_27] : memref<16x8x128xf32, #tpu.memory_space<vmem>>, vector<1x8x128xf32>
    %get3A_29 = vector.shape_cast %get3A_28 : vector<1x8x128xf32> to vector<8x128xf32>
    %select_n3A_30 = arith.select %eq3A_24, %get3A_4, %broadcast_in_dim3A_21 : vector<128x8x128xi1>, vector<128x8x128xf32>
    %reduce_sum3A = arith.constant dense<0.000000e+00> : vector<8x128xf32>
    %reduce_sum3A_31 = vector.multi_reduction <add>, %select_n3A_30, %reduce_sum3A [0] : vector<128x8x128xf32> to vector<8x128xf32>
    %add3A = arith.addf %get3A_29, %reduce_sum3A_31 : vector<8x128xf32>
    %swap3A = arith.constant 0 : index
    %swap3A_32 = arith.constant 0 : index
    %swap3A_33 = arith.constant 0 : index
    %swap3A_34 = vector.load %arg3[%swap3A, %swap3A_32, %swap3A_33] : memref<16x8x128xf32, #tpu.memory_space<vmem>>, vector<1x8x128xf32>
    %swap3A_35 = vector.shape_cast %swap3A_34 : vector<1x8x128xf32> to vector<8x128xf32>
    %swap3A_36 = vector.shape_cast %add3A : vector<8x128xf32> to vector<1x8x128xf32>
    tpu.vector_store %arg3[%swap3A, %swap3A_32, %swap3A_33], %swap3A_36 {strides = array<i32>} : memref<16x8x128xf32, #tpu.memory_space<vmem>>, vector<1x8x128xf32>,
    %get3A_37 = arith.constant 0 : index
    %get3A_38 = arith.constant 0 : index
    %get3A_39 = arith.constant 0 : index
    %get3A_40 = vector.load %arg4[%get3A_37, %get3A_38, %get3A_39] : memref<16x8x128xi32, #tpu.memory_space<vmem>>, vector<1x8x128xi32>
    %get3A_41 = vector.shape_cast %get3A_40 : vector<1x8x128xi32> to vector<8x128xi32>
    %select_n3A_42 = arith.select %eq3A_24, %or3A_17, %broadcast_in_dim3A_19 : vector<128x8x128xi1>, vector<128x8x128xi32>
    %reduce_sum3A_43 = arith.constant dense<0> : vector<8x128xi32>
    %reduce_sum3A_44 = vector.multi_reduction <add>, %select_n3A_42, %reduce_sum3A_43 [0] : vector<128x8x128xi32> to vector<8x128xi32>
    %add3A_45 = arith.addi %get3A_41, %reduce_sum3A_44 : vector<8x128xi32>
    %swap3A_46 = arith.constant 0 : index
    %swap3A_47 = arith.constant 0 : index
    %swap3A_48 = arith.constant 0 : index
    %swap3A_49 = vector.load %arg4[%swap3A_46, %swap3A_47, %swap3A_48] : memref<16x8x128xi32, #tpu.memory_space<vmem>>, vector<1x8x128xi32>
    %swap3A_50 = vector.shape_cast %swap3A_49 : vector<1x8x128xi32> to vector<8x128xi32>
    %swap3A_51 = vector.shape_cast %add3A_45 : vector<8x128xi32> to vector<1x8x128xi32>
    tpu.vector_store %arg4[%swap3A_46, %swap3A_47, %swap3A_48], %swap3A_51 {strides = array<i32>} : memref<16x8x128xi32, #tpu.memory_space<vmem>>, vector<1x8x128xi32>,
    %eq3A_52 = arith.constant 1 : i32
    %eq3A_53 = vector.broadcast %eq3A_52 : i32 to vector<128x8x128xi32>
    %eq3A_54 = arith.cmpi eq, %select_n3A, %eq3A_53 : vector<128x8x128xi32>
    %get3A_55 = arith.constant 1 : index
    %get3A_56 = arith.constant 0 : index
    %get3A_57 = arith.constant 0 : index
    %get3A_58 = vector.load %arg3[%get3A_55, %get3A_56, %get3A_57] : memref<16x8x128xf32, #tpu.memory_space<vmem>>, vector<1x8x128xf32>
    %get3A_59 = vector.shape_cast %get3A_58 : vector<1x8x128xf32> to vector<8x128xf32>
    %select_n3A_60 = arith.select %eq3A_54, %get3A_4, %broadcast_in_dim3A_21 : vector<128x8x128xi1>, vector<128x8x128xf32>
    %reduce_sum3A_61 = arith.constant dense<0.000000e+00> : vector<8x128xf32>
    %reduce_sum3A_62 = vector.multi_reduction <add>, %select_n3A_60, %reduce_sum3A_61 [0] : vector<128x8x128xf32> to vector<8x128xf32>
    %add3A_63 = arith.addf %get3A_59, %reduce_sum3A_62 : vector<8x128xf32>
    %swap3A_64 = arith.constant 1 : index
    %swap3A_65 = arith.constant 0 : index
    %swap3A_66 = arith.constant 0 : index
    %swap3A_67 = vector.load %arg3[%swap3A_64, %swap3A_65, %swap3A_66] : memref<16x8x128xf32, #tpu.memory_space<vmem>>, vector<1x8x128xf32>
    %swap3A_68 = vector.shape_cast %swap3A_67 : vector<1x8x128xf32> to vector<8x128xf32>
    %swap3A_69 = vector.shape_cast %add3A_63 : vector<8x128xf32> to vector<1x8x128xf32>
    tpu.vector_store %arg3[%swap3A_64, %swap3A_65, %swap3A_66], %swap3A_69 {strides = array<i32>} : memref<16x8x128xf32, #tpu.memory_space<vmem>>, vector<1x8x128xf32>,
    %get3A_70 = arith.constant 1 : index
    %get3A_71 = arith.constant 0 : index
    %get3A_72 = arith.constant 0 : index
    %get3A_73 = vector.load %arg4[%get3A_70, %get3A_71, %get3A_72] : memref<16x8x128xi32, #tpu.memory_space<vmem>>, vector<1x8x128xi32>
    %get3A_74 = vector.shape_cast %get3A_73 : vector<1x8x128xi32> to vector<8x128xi32>
    %select_n3A_75 = arith.select %eq3A_54, %or3A_17, %broadcast_in_dim3A_19 : vector<128x8x128xi1>, vector<128x8x128xi32>
    %reduce_sum3A_76 = arith.constant dense<0> : vector<8x128xi32>
    %reduce_sum3A_77 = vector.multi_reduction <add>, %select_n3A_75, %reduce_sum3A_76 [0] : vector<128x8x128xi32> to vector<8x128xi32>
    %add3A_78 = arith.addi %get3A_74, %reduce_sum3A_77 : vector<8x128xi32>
    %swap3A_79 = arith.constant 1 : index
    %swap3A_80 = arith.constant 0 : index
    %swap3A_81 = arith.constant 0 : index
    %swap3A_82 = vector.load %arg4[%swap3A_79, %swap3A_80, %swap3A_81] : memref<16x8x128xi32, #tpu.memory_space<vmem>>, vector<1x8x128xi32>
    %swap3A_83 = vector.shape_cast %swap3A_82 : vector<1x8x128xi32> to vector<8x128xi32>
    %swap3A_84 = vector.shape_cast %add3A_78 : vector<8x128xi32> to vector<1x8x128xi32>
    tpu.vector_store %arg4[%swap3A_79, %swap3A_80, %swap3A_81], %swap3A_84 {strides = array<i32>} : memref<16x8x128xi32, #tpu.memory_space<vmem>>, vector<1x8x128xi32>,
    %eq3A_85 = arith.constant 2 : i32
    %eq3A_86 = vector.broadcast %eq3A_85 : i32 to vector<128x8x128xi32>
    %eq3A_87 = arith.cmpi eq, %select_n3A, %eq3A_86 : vector<128x8x128xi32>
    %get3A_88 = arith.constant 2 : index
    %get3A_89 = arith.constant 0 : index
    %get3A_90 = arith.constant 0 : index
    %get3A_91 = vector.load %arg3[%get3A_88, %get3A_89, %get3A_90] : memref<16x8x128xf32, #tpu.memory_space<vmem>>, vector<1x8x128xf32>
    %get3A_92 = vector.shape_cast %get3A_91 : vector<1x8x128xf32> to vector<8x128xf32>
    %select_n3A_93 = arith.select %eq3A_87, %get3A_4, %broadcast_in_dim3A_21 : vector<128x8x128xi1>, vector<128x8x128xf32>
    %reduce_sum3A_94 = arith.constant dense<0.000000e+00> : vector<8x128xf32>
    %reduce_sum3A_95 = vector.multi_reduction <add>, %select_n3A_93, %reduce_sum3A_94 [0] : vector<128x8x128xf32> to vector<8x128xf32>
    %add3A_96 = arith.addf %get3A_92, %reduce_sum3A_95 : vector<8x128xf32>
    %swap3A_97 = arith.constant 2 : index
    %swap3A_98 = arith.constant 0 : index
    %swap3A_99 = arith.constant 0 : index
    %swap3A_100 = vector.load %arg3[%swap3A_97, %swap3A_98, %swap3A_99] : memref<16x8x128xf32, #tpu.memory_space<vmem>>, vector<1x8x128xf32>
    %swap3A_101 = vector.shape_cast %swap3A_100 : vector<1x8x128xf32> to vector<8x128xf32>
    %swap3A_102 = vector.shape_cast %add3A_96 : vector<8x128xf32> to vector<1x8x128xf32>
    tpu.vector_store %arg3[%swap3A_97, %swap3A_98, %swap3A_99], %swap3A_102 {strides = array<i32>} : memref<16x8x128xf32, #tpu.memory_space<vmem>>, vector<1x8x128xf32>,
    %get3A_103 = arith.constant 2 : index
    %get3A_104 = arith.constant 0 : index
    %get3A_105 = arith.constant 0 : index
    %get3A_106 = vector.load %arg4[%get3A_103, %get3A_104, %get3A_105] : memref<16x8x128xi32, #tpu.memory_space<vmem>>, vector<1x8x128xi32>
    %get3A_107 = vector.shape_cast %get3A_106 : vector<1x8x128xi32> to vector<8x128xi32>
    %select_n3A_108 = arith.select %eq3A_87, %or3A_17, %broadcast_in_dim3A_19 : vector<128x8x128xi1>, vector<128x8x128xi32>
    %reduce_sum3A_109 = arith.constant dense<0> : vector<8x128xi32>
    %reduce_sum3A_110 = vector.multi_reduction <add>, %select_n3A_108, %reduce_sum3A_109 [0] : vector<128x8x128xi32> to vector<8x128xi32>
    %add3A_111 = arith.addi %get3A_107, %reduce_sum3A_110 : vector<8x128xi32>
    %swap3A_112 = arith.constant 2 : index
    %swap3A_113 = arith.constant 0 : index
    %swap3A_114 = arith.constant 0 : index
    %swap3A_115 = vector.load %arg4[%swap3A_112, %swap3A_113, %swap3A_114] : memref<16x8x128xi32, #tpu.memory_space<vmem>>, vector<1x8x128xi32>
    %swap3A_116 = vector.shape_cast %swap3A_115 : vector<1x8x128xi32> to vector<8x128xi32>
    %swap3A_117 = vector.shape_cast %add3A_111 : vector<8x128xi32> to vector<1x8x128xi32>
    tpu.vector_store %arg4[%swap3A_112, %swap3A_113, %swap3A_114], %swap3A_117 {strides = array<i32>} : memref<16x8x128xi32, #tpu.memory_space<vmem>>, vector<1x8x128xi32>,
    %eq3A_118 = arith.constant 3 : i32
    %eq3A_119 = vector.broadcast %eq3A_118 : i32 to vector<128x8x128xi32>
    %eq3A_120 = arith.cmpi eq, %select_n3A, %eq3A_119 : vector<128x8x128xi32>
    %get3A_121 = arith.constant 3 : index
    %get3A_122 = arith.constant 0 : index
    %get3A_123 = arith.constant 0 : index
    %get3A_124 = vector.load %arg3[%get3A_121, %get3A_122, %get3A_123] : memref<16x8x128xf32, #tpu.memory_space<vmem>>, vector<1x8x128xf32>
    %get3A_125 = vector.shape_cast %get3A_124 : vector<1x8x128xf32> to vector<8x128xf32>
    %select_n3A_126 = arith.select %eq3A_120, %get3A_4, %broadcast_in_dim3A_21 : vector<128x8x128xi1>, vector<128x8x128xf32>
    %reduce_sum3A_127 = arith.constant dense<0.000000e+00> : vector<8x128xf32>
    %reduce_sum3A_128 = vector.multi_reduction <add>, %select_n3A_126, %reduce_sum3A_127 [0] : vector<128x8x128xf32> to vector<8x128xf32>
    %add3A_129 = arith.addf %get3A_125, %reduce_sum3A_128 : vector<8x128xf32>
    %swap3A_130 = arith.constant 3 : index
    %swap3A_131 = arith.constant 0 : index
    %swap3A_132 = arith.constant 0 : index
    %swap3A_133 = vector.load %arg3[%swap3A_130, %swap3A_131, %swap3A_132] : memref<16x8x128xf32, #tpu.memory_space<vmem>>, vector<1x8x128xf32>
    %swap3A_134 = vector.shape_cast %swap3A_133 : vector<1x8x128xf32> to vector<8x128xf32>
    %swap3A_135 = vector.shape_cast %add3A_129 : vector<8x128xf32> to vector<1x8x128xf32>
    tpu.vector_store %arg3[%swap3A_130, %swap3A_131, %swap3A_132], %swap3A_135 {strides = array<i32>} : memref<16x8x128xf32, #tpu.memory_space<vmem>>, vector<1x8x128xf32>,
    %get3A_136 = arith.constant 3 : index
    %get3A_137 = arith.constant 0 : index
    %get3A_138 = arith.constant 0 : index
    %get3A_139 = vector.load %arg4[%get3A_136, %get3A_137, %get3A_138] : memref<16x8x128xi32, #tpu.memory_space<vmem>>, vector<1x8x128xi32>
    %get3A_140 = vector.shape_cast %get3A_139 : vector<1x8x128xi32> to vector<8x128xi32>
    %select_n3A_141 = arith.select %eq3A_120, %or3A_17, %broadcast_in_dim3A_19 : vector<128x8x128xi1>, vector<128x8x128xi32>
    %reduce_sum3A_142 = arith.constant dense<0> : vector<8x128xi32>
    %reduce_sum3A_143 = vector.multi_reduction <add>, %select_n3A_141, %reduce_sum3A_142 [0] : vector<128x8x128xi32> to vector<8x128xi32>
    %add3A_144 = arith.addi %get3A_140, %reduce_sum3A_143 : vector<8x128xi32>
    %swap3A_145 = arith.constant 3 : index
    %swap3A_146 = arith.constant 0 : index
    %swap3A_147 = arith.constant 0 : index
    %swap3A_148 = vector.load %arg4[%swap3A_145, %swap3A_146, %swap3A_147] : memref<16x8x128xi32, #tpu.memory_space<vmem>>, vector<1x8x128xi32>
    %swap3A_149 = vector.shape_cast %swap3A_148 : vector<1x8x128xi32> to vector<8x128xi32>
    %swap3A_150 = vector.shape_cast %add3A_144 : vector<8x128xi32> to vector<1x8x128xi32>
    tpu.vector_store %arg4[%swap3A_145, %swap3A_146, %swap3A_147], %swap3A_150 {strides = array<i32>} : memref<16x8x128xi32, #tpu.memory_space<vmem>>, vector<1x8x128xi32>,
    %eq3A_151 = arith.constant 4 : i32
    %eq3A_152 = vector.broadcast %eq3A_151 : i32 to vector<128x8x128xi32>
    %eq3A_153 = arith.cmpi eq, %select_n3A, %eq3A_152 : vector<128x8x128xi32>
    %get3A_154 = arith.constant 4 : index
    %get3A_155 = arith.constant 0 : index
    %get3A_156 = arith.constant 0 : index
    %get3A_157 = vector.load %arg3[%get3A_154, %get3A_155, %get3A_156] : memref<16x8x128xf32, #tpu.memory_space<vmem>>, vector<1x8x128xf32>
    %get3A_158 = vector.shape_cast %get3A_157 : vector<1x8x128xf32> to vector<8x128xf32>
    %select_n3A_159 = arith.select %eq3A_153, %get3A_4, %broadcast_in_dim3A_21 : vector<128x8x128xi1>, vector<128x8x128xf32>
    %reduce_sum3A_160 = arith.constant dense<0.000000e+00> : vector<8x128xf32>
    %reduce_sum3A_161 = vector.multi_reduction <add>, %select_n3A_159, %reduce_sum3A_160 [0] : vector<128x8x128xf32> to vector<8x128xf32>
    %add3A_162 = arith.addf %get3A_158, %reduce_sum3A_161 : vector<8x128xf32>
    %swap3A_163 = arith.constant 4 : index
    %swap3A_164 = arith.constant 0 : index
    %swap3A_165 = arith.constant 0 : index
    %swap3A_166 = vector.load %arg3[%swap3A_163, %swap3A_164, %swap3A_165] : memref<16x8x128xf32, #tpu.memory_space<vmem>>, vector<1x8x128xf32>
    %swap3A_167 = vector.shape_cast %swap3A_166 : vector<1x8x128xf32> to vector<8x128xf32>
    %swap3A_168 = vector.shape_cast %add3A_162 : vector<8x128xf32> to vector<1x8x128xf32>
    tpu.vector_store %arg3[%swap3A_163, %swap3A_164, %swap3A_165], %swap3A_168 {strides = array<i32>} : memref<16x8x128xf32, #tpu.memory_space<vmem>>, vector<1x8x128xf32>,
    %get3A_169 = arith.constant 4 : index
    %get3A_170 = arith.constant 0 : index
    %get3A_171 = arith.constant 0 : index
    %get3A_172 = vector.load %arg4[%get3A_169, %get3A_170, %get3A_171] : memref<16x8x128xi32, #tpu.memory_space<vmem>>, vector<1x8x128xi32>
    %get3A_173 = vector.shape_cast %get3A_172 : vector<1x8x128xi32> to vector<8x128xi32>
    %select_n3A_174 = arith.select %eq3A_153, %or3A_17, %broadcast_in_dim3A_19 : vector<128x8x128xi1>, vector<128x8x128xi32>
    %reduce_sum3A_175 = arith.constant dense<0> : vector<8x128xi32>
    %reduce_sum3A_176 = vector.multi_reduction <add>, %select_n3A_174, %reduce_sum3A_175 [0] : vector<128x8x128xi32> to vector<8x128xi32>
    %add3A_177 = arith.addi %get3A_173, %reduce_sum3A_176 : vector<8x128xi32>
    %swap3A_178 = arith.constant 4 : index
    %swap3A_179 = arith.constant 0 : index
    %swap3A_180 = arith.constant 0 : index
    %swap3A_181 = vector.load %arg4[%swap3A_178, %swap3A_179, %swap3A_180] : memref<16x8x128xi32, #tpu.memory_space<vmem>>, vector<1x8x128xi32>
    %swap3A_182 = vector.shape_cast %swap3A_181 : vector<1x8x128xi32> to vector<8x128xi32>
    %swap3A_183 = vector.shape_cast %add3A_177 : vector<8x128xi32> to vector<1x8x128xi32>
    tpu.vector_store %arg4[%swap3A_178, %swap3A_179, %swap3A_180], %swap3A_183 {strides = array<i32>} : memref<16x8x128xi32, #tpu.memory_space<vmem>>, vector<1x8x128xi32>,
    %eq3A_184 = arith.constant 5 : i32
    %eq3A_185 = vector.broadcast %eq3A_184 : i32 to vector<128x8x128xi32>
    %eq3A_186 = arith.cmpi eq, %select_n3A, %eq3A_185 : vector<128x8x128xi32>
    %get3A_187 = arith.constant 5 : index
    %get3A_188 = arith.constant 0 : index
    %get3A_189 = arith.constant 0 : index
    %get3A_190 = vector.load %arg3[%get3A_187, %get3A_188, %get3A_189] : memref<16x8x128xf32, #tpu.memory_space<vmem>>, vector<1x8x128xf32>
    %get3A_191 = vector.shape_cast %get3A_190 : vector<1x8x128xf32> to vector<8x128xf32>
    %select_n3A_192 = arith.select %eq3A_186, %get3A_4, %broadcast_in_dim3A_21 : vector<128x8x128xi1>, vector<128x8x128xf32>
    %reduce_sum3A_193 = arith.constant dense<0.000000e+00> : vector<8x128xf32>
    %reduce_sum3A_194 = vector.multi_reduction <add>, %select_n3A_192, %reduce_sum3A_193 [0] : vector<128x8x128xf32> to vector<8x128xf32>
    %add3A_195 = arith.addf %get3A_191, %reduce_sum3A_194 : vector<8x128xf32>
    %swap3A_196 = arith.constant 5 : index
    %swap3A_197 = arith.constant 0 : index
    %swap3A_198 = arith.constant 0 : index
    %swap3A_199 = vector.load %arg3[%swap3A_196, %swap3A_197, %swap3A_198] : memref<16x8x128xf32, #tpu.memory_space<vmem>>, vector<1x8x128xf32>
    %swap3A_200 = vector.shape_cast %swap3A_199 : vector<1x8x128xf32> to vector<8x128xf32>
    %swap3A_201 = vector.shape_cast %add3A_195 : vector<8x128xf32> to vector<1x8x128xf32>
    tpu.vector_store %arg3[%swap3A_196, %swap3A_197, %swap3A_198], %swap3A_201 {strides = array<i32>} : memref<16x8x128xf32, #tpu.memory_space<vmem>>, vector<1x8x128xf32>,
    %get3A_202 = arith.constant 5 : index
    %get3A_203 = arith.constant 0 : index
    %get3A_204 = arith.constant 0 : index
    %get3A_205 = vector.load %arg4[%get3A_202, %get3A_203, %get3A_204] : memref<16x8x128xi32, #tpu.memory_space<vmem>>, vector<1x8x128xi32>
    %get3A_206 = vector.shape_cast %get3A_205 : vector<1x8x128xi32> to vector<8x128xi32>
    %select_n3A_207 = arith.select %eq3A_186, %or3A_17, %broadcast_in_dim3A_19 : vector<128x8x128xi1>, vector<128x8x128xi32>
    %reduce_sum3A_208 = arith.constant dense<0> : vector<8x128xi32>
    %reduce_sum3A_209 = vector.multi_reduction <add>, %select_n3A_207, %reduce_sum3A_208 [0] : vector<128x8x128xi32> to vector<8x128xi32>
    %add3A_210 = arith.addi %get3A_206, %reduce_sum3A_209 : vector<8x128xi32>
    %swap3A_211 = arith.constant 5 : index
    %swap3A_212 = arith.constant 0 : index
    %swap3A_213 = arith.constant 0 : index
    %swap3A_214 = vector.load %arg4[%swap3A_211, %swap3A_212, %swap3A_213] : memref<16x8x128xi32, #tpu.memory_space<vmem>>, vector<1x8x128xi32>
    %swap3A_215 = vector.shape_cast %swap3A_214 : vector<1x8x128xi32> to vector<8x128xi32>
    %swap3A_216 = vector.shape_cast %add3A_210 : vector<8x128xi32> to vector<1x8x128xi32>
    tpu.vector_store %arg4[%swap3A_211, %swap3A_212, %swap3A_213], %swap3A_216 {strides = array<i32>} : memref<16x8x128xi32, #tpu.memory_space<vmem>>, vector<1x8x128xi32>,
    %eq3A_217 = arith.constant 6 : i32
    %eq3A_218 = vector.broadcast %eq3A_217 : i32 to vector<128x8x128xi32>
    %eq3A_219 = arith.cmpi eq, %select_n3A, %eq3A_218 : vector<128x8x128xi32>
    %get3A_220 = arith.constant 6 : index
    %get3A_221 = arith.constant 0 : index
    %get3A_222 = arith.constant 0 : index
    %get3A_223 = vector.load %arg3[%get3A_220, %get3A_221, %get3A_222] : memref<16x8x128xf32, #tpu.memory_space<vmem>>, vector<1x8x128xf32>
    %get3A_224 = vector.shape_cast %get3A_223 : vector<1x8x128xf32> to vector<8x128xf32>
    %select_n3A_225 = arith.select %eq3A_219, %get3A_4, %broadcast_in_dim3A_21 : vector<128x8x128xi1>, vector<128x8x128xf32>
    %reduce_sum3A_226 = arith.constant dense<0.000000e+00> : vector<8x128xf32>
    %reduce_sum3A_227 = vector.multi_reduction <add>, %select_n3A_225, %reduce_sum3A_226 [0] : vector<128x8x128xf32> to vector<8x128xf32>
    %add3A_228 = arith.addf %get3A_224, %reduce_sum3A_227 : vector<8x128xf32>
    %swap3A_229 = arith.constant 6 : index
    %swap3A_230 = arith.constant 0 : index
    %swap3A_231 = arith.constant 0 : index
    %swap3A_232 = vector.load %arg3[%swap3A_229, %swap3A_230, %swap3A_231] : memref<16x8x128xf32, #tpu.memory_space<vmem>>, vector<1x8x128xf32>
    %swap3A_233 = vector.shape_cast %swap3A_232 : vector<1x8x128xf32> to vector<8x128xf32>
    %swap3A_234 = vector.shape_cast %add3A_228 : vector<8x128xf32> to vector<1x8x128xf32>
    tpu.vector_store %arg3[%swap3A_229, %swap3A_230, %swap3A_231], %swap3A_234 {strides = array<i32>} : memref<16x8x128xf32, #tpu.memory_space<vmem>>, vector<1x8x128xf32>,
    %get3A_235 = arith.constant 6 : index
    %get3A_236 = arith.constant 0 : index
    %get3A_237 = arith.constant 0 : index
    %get3A_238 = vector.load %arg4[%get3A_235, %get3A_236, %get3A_237] : memref<16x8x128xi32, #tpu.memory_space<vmem>>, vector<1x8x128xi32>
    %get3A_239 = vector.shape_cast %get3A_238 : vector<1x8x128xi32> to vector<8x128xi32>
    %select_n3A_240 = arith.select %eq3A_219, %or3A_17, %broadcast_in_dim3A_19 : vector<128x8x128xi1>, vector<128x8x128xi32>
    %reduce_sum3A_241 = arith.constant dense<0> : vector<8x128xi32>
    %reduce_sum3A_242 = vector.multi_reduction <add>, %select_n3A_240, %reduce_sum3A_241 [0] : vector<128x8x128xi32> to vector<8x128xi32>
    %add3A_243 = arith.addi %get3A_239, %reduce_sum3A_242 : vector<8x128xi32>
    %swap3A_244 = arith.constant 6 : index
    %swap3A_245 = arith.constant 0 : index
    %swap3A_246 = arith.constant 0 : index
    %swap3A_247 = vector.load %arg4[%swap3A_244, %swap3A_245, %swap3A_246] : memref<16x8x128xi32, #tpu.memory_space<vmem>>, vector<1x8x128xi32>
    %swap3A_248 = vector.shape_cast %swap3A_247 : vector<1x8x128xi32> to vector<8x128xi32>
    %swap3A_249 = vector.shape_cast %add3A_243 : vector<8x128xi32> to vector<1x8x128xi32>
    tpu.vector_store %arg4[%swap3A_244, %swap3A_245, %swap3A_246], %swap3A_249 {strides = array<i32>} : memref<16x8x128xi32, #tpu.memory_space<vmem>>, vector<1x8x128xi32>,
    %eq3A_250 = arith.constant 7 : i32
    %eq3A_251 = vector.broadcast %eq3A_250 : i32 to vector<128x8x128xi32>
    %eq3A_252 = arith.cmpi eq, %select_n3A, %eq3A_251 : vector<128x8x128xi32>
    %get3A_253 = arith.constant 7 : index
    %get3A_254 = arith.constant 0 : index
    %get3A_255 = arith.constant 0 : index
    %get3A_256 = vector.load %arg3[%get3A_253, %get3A_254, %get3A_255] : memref<16x8x128xf32, #tpu.memory_space<vmem>>, vector<1x8x128xf32>
    %get3A_257 = vector.shape_cast %get3A_256 : vector<1x8x128xf32> to vector<8x128xf32>
    %select_n3A_258 = arith.select %eq3A_252, %get3A_4, %broadcast_in_dim3A_21 : vector<128x8x128xi1>, vector<128x8x128xf32>
    %reduce_sum3A_259 = arith.constant dense<0.000000e+00> : vector<8x128xf32>
    %reduce_sum3A_260 = vector.multi_reduction <add>, %select_n3A_258, %reduce_sum3A_259 [0] : vector<128x8x128xf32> to vector<8x128xf32>
    %add3A_261 = arith.addf %get3A_257, %reduce_sum3A_260 : vector<8x128xf32>
    %swap3A_262 = arith.constant 7 : index
    %swap3A_263 = arith.constant 0 : index
    %swap3A_264 = arith.constant 0 : index
    %swap3A_265 = vector.load %arg3[%swap3A_262, %swap3A_263, %swap3A_264] : memref<16x8x128xf32, #tpu.memory_space<vmem>>, vector<1x8x128xf32>
    %swap3A_266 = vector.shape_cast %swap3A_265 : vector<1x8x128xf32> to vector<8x128xf32>
    %swap3A_267 = vector.shape_cast %add3A_261 : vector<8x128xf32> to vector<1x8x128xf32>
    tpu.vector_store %arg3[%swap3A_262, %swap3A_263, %swap3A_264], %swap3A_267 {strides = array<i32>} : memref<16x8x128xf32, #tpu.memory_space<vmem>>, vector<1x8x128xf32>,
    %get3A_268 = arith.constant 7 : index
    %get3A_269 = arith.constant 0 : index
    %get3A_270 = arith.constant 0 : index
    %get3A_271 = vector.load %arg4[%get3A_268, %get3A_269, %get3A_270] : memref<16x8x128xi32, #tpu.memory_space<vmem>>, vector<1x8x128xi32>
    %get3A_272 = vector.shape_cast %get3A_271 : vector<1x8x128xi32> to vector<8x128xi32>
    %select_n3A_273 = arith.select %eq3A_252, %or3A_17, %broadcast_in_dim3A_19 : vector<128x8x128xi1>, vector<128x8x128xi32>
    %reduce_sum3A_274 = arith.constant dense<0> : vector<8x128xi32>
    %reduce_sum3A_275 = vector.multi_reduction <add>, %select_n3A_273, %reduce_sum3A_274 [0] : vector<128x8x128xi32> to vector<8x128xi32>
    %add3A_276 = arith.addi %get3A_272, %reduce_sum3A_275 : vector<8x128xi32>
    %swap3A_277 = arith.constant 7 : index
    %swap3A_278 = arith.constant 0 : index
    %swap3A_279 = arith.constant 0 : index
    %swap3A_280 = vector.load %arg4[%swap3A_277, %swap3A_278, %swap3A_279] : memref<16x8x128xi32, #tpu.memory_space<vmem>>, vector<1x8x128xi32>
    %swap3A_281 = vector.shape_cast %swap3A_280 : vector<1x8x128xi32> to vector<8x128xi32>
    %swap3A_282 = vector.shape_cast %add3A_276 : vector<8x128xi32> to vector<1x8x128xi32>
    tpu.vector_store %arg4[%swap3A_277, %swap3A_278, %swap3A_279], %swap3A_282 {strides = array<i32>} : memref<16x8x128xi32, #tpu.memory_space<vmem>>, vector<1x8x128xi32>,
    %eq3A_283 = arith.constant 8 : i32
    %eq3A_284 = vector.broadcast %eq3A_283 : i32 to vector<128x8x128xi32>
    %eq3A_285 = arith.cmpi eq, %select_n3A, %eq3A_284 : vector<128x8x128xi32>
    %get3A_286 = arith.constant 8 : index
    %get3A_287 = arith.constant 0 : index
    %get3A_288 = arith.constant 0 : index
    %get3A_289 = vector.load %arg3[%get3A_286, %get3A_287, %get3A_288] : memref<16x8x128xf32, #tpu.memory_space<vmem>>, vector<1x8x128xf32>
    %get3A_290 = vector.shape_cast %get3A_289 : vector<1x8x128xf32> to vector<8x128xf32>
    %select_n3A_291 = arith.select %eq3A_285, %get3A_4, %broadcast_in_dim3A_21 : vector<128x8x128xi1>, vector<128x8x128xf32>
    %reduce_sum3A_292 = arith.constant dense<0.000000e+00> : vector<8x128xf32>
    %reduce_sum3A_293 = vector.multi_reduction <add>, %select_n3A_291, %reduce_sum3A_292 [0] : vector<128x8x128xf32> to vector<8x128xf32>
    %add3A_294 = arith.addf %get3A_290, %reduce_sum3A_293 : vector<8x128xf32>
    %swap3A_295 = arith.constant 8 : index
    %swap3A_296 = arith.constant 0 : index
    %swap3A_297 = arith.constant 0 : index
    %swap3A_298 = vector.load %arg3[%swap3A_295, %swap3A_296, %swap3A_297] : memref<16x8x128xf32, #tpu.memory_space<vmem>>, vector<1x8x128xf32>
    %swap3A_299 = vector.shape_cast %swap3A_298 : vector<1x8x128xf32> to vector<8x128xf32>
    %swap3A_300 = vector.shape_cast %add3A_294 : vector<8x128xf32> to vector<1x8x128xf32>
    tpu.vector_store %arg3[%swap3A_295, %swap3A_296, %swap3A_297], %swap3A_300 {strides = array<i32>} : memref<16x8x128xf32, #tpu.memory_space<vmem>>, vector<1x8x128xf32>,
    %get3A_301 = arith.constant 8 : index
    %get3A_302 = arith.constant 0 : index
    %get3A_303 = arith.constant 0 : index
    %get3A_304 = vector.load %arg4[%get3A_301, %get3A_302, %get3A_303] : memref<16x8x128xi32, #tpu.memory_space<vmem>>, vector<1x8x128xi32>
    %get3A_305 = vector.shape_cast %get3A_304 : vector<1x8x128xi32> to vector<8x128xi32>
    %select_n3A_306 = arith.select %eq3A_285, %or3A_17, %broadcast_in_dim3A_19 : vector<128x8x128xi1>, vector<128x8x128xi32>
    %reduce_sum3A_307 = arith.constant dense<0> : vector<8x128xi32>
    %reduce_sum3A_308 = vector.multi_reduction <add>, %select_n3A_306, %reduce_sum3A_307 [0] : vector<128x8x128xi32> to vector<8x128xi32>
    %add3A_309 = arith.addi %get3A_305, %reduce_sum3A_308 : vector<8x128xi32>
    %swap3A_310 = arith.constant 8 : index
    %swap3A_311 = arith.constant 0 : index
    %swap3A_312 = arith.constant 0 : index
    %swap3A_313 = vector.load %arg4[%swap3A_310, %swap3A_311, %swap3A_312] : memref<16x8x128xi32, #tpu.memory_space<vmem>>, vector<1x8x128xi32>
    %swap3A_314 = vector.shape_cast %swap3A_313 : vector<1x8x128xi32> to vector<8x128xi32>
    %swap3A_315 = vector.shape_cast %add3A_309 : vector<8x128xi32> to vector<1x8x128xi32>
    tpu.vector_store %arg4[%swap3A_310, %swap3A_311, %swap3A_312], %swap3A_315 {strides = array<i32>} : memref<16x8x128xi32, #tpu.memory_space<vmem>>, vector<1x8x128xi32>,
    %eq3A_316 = arith.constant 9 : i32
    %eq3A_317 = vector.broadcast %eq3A_316 : i32 to vector<128x8x128xi32>
    %eq3A_318 = arith.cmpi eq, %select_n3A, %eq3A_317 : vector<128x8x128xi32>
    %get3A_319 = arith.constant 9 : index
    %get3A_320 = arith.constant 0 : index
    %get3A_321 = arith.constant 0 : index
    %get3A_322 = vector.load %arg3[%get3A_319, %get3A_320, %get3A_321] : memref<16x8x128xf32, #tpu.memory_space<vmem>>, vector<1x8x128xf32>
    %get3A_323 = vector.shape_cast %get3A_322 : vector<1x8x128xf32> to vector<8x128xf32>
    %select_n3A_324 = arith.select %eq3A_318, %get3A_4, %broadcast_in_dim3A_21 : vector<128x8x128xi1>, vector<128x8x128xf32>
    %reduce_sum3A_325 = arith.constant dense<0.000000e+00> : vector<8x128xf32>
    %reduce_sum3A_326 = vector.multi_reduction <add>, %select_n3A_324, %reduce_sum3A_325 [0] : vector<128x8x128xf32> to vector<8x128xf32>
    %add3A_327 = arith.addf %get3A_323, %reduce_sum3A_326 : vector<8x128xf32>
    %swap3A_328 = arith.constant 9 : index
    %swap3A_329 = arith.constant 0 : index
    %swap3A_330 = arith.constant 0 : index
    %swap3A_331 = vector.load %arg3[%swap3A_328, %swap3A_329, %swap3A_330] : memref<16x8x128xf32, #tpu.memory_space<vmem>>, vector<1x8x128xf32>
    %swap3A_332 = vector.shape_cast %swap3A_331 : vector<1x8x128xf32> to vector<8x128xf32>
    %swap3A_333 = vector.shape_cast %add3A_327 : vector<8x128xf32> to vector<1x8x128xf32>
    tpu.vector_store %arg3[%swap3A_328, %swap3A_329, %swap3A_330], %swap3A_333 {strides = array<i32>} : memref<16x8x128xf32, #tpu.memory_space<vmem>>, vector<1x8x128xf32>,
    %get3A_334 = arith.constant 9 : index
    %get3A_335 = arith.constant 0 : index
    %get3A_336 = arith.constant 0 : index
    %get3A_337 = vector.load %arg4[%get3A_334, %get3A_335, %get3A_336] : memref<16x8x128xi32, #tpu.memory_space<vmem>>, vector<1x8x128xi32>
    %get3A_338 = vector.shape_cast %get3A_337 : vector<1x8x128xi32> to vector<8x128xi32>
    %select_n3A_339 = arith.select %eq3A_318, %or3A_17, %broadcast_in_dim3A_19 : vector<128x8x128xi1>, vector<128x8x128xi32>
    %reduce_sum3A_340 = arith.constant dense<0> : vector<8x128xi32>
    %reduce_sum3A_341 = vector.multi_reduction <add>, %select_n3A_339, %reduce_sum3A_340 [0] : vector<128x8x128xi32> to vector<8x128xi32>
    %add3A_342 = arith.addi %get3A_338, %reduce_sum3A_341 : vector<8x128xi32>
    %swap3A_343 = arith.constant 9 : index
    %swap3A_344 = arith.constant 0 : index
    %swap3A_345 = arith.constant 0 : index
    %swap3A_346 = vector.load %arg4[%swap3A_343, %swap3A_344, %swap3A_345] : memref<16x8x128xi32, #tpu.memory_space<vmem>>, vector<1x8x128xi32>
    %swap3A_347 = vector.shape_cast %swap3A_346 : vector<1x8x128xi32> to vector<8x128xi32>
    %swap3A_348 = vector.shape_cast %add3A_342 : vector<8x128xi32> to vector<1x8x128xi32>
    tpu.vector_store %arg4[%swap3A_343, %swap3A_344, %swap3A_345], %swap3A_348 {strides = array<i32>} : memref<16x8x128xi32, #tpu.memory_space<vmem>>, vector<1x8x128xi32>,
    %eq3A_349 = arith.constant 10 : i32
    %eq3A_350 = vector.broadcast %eq3A_349 : i32 to vector<128x8x128xi32>
    %eq3A_351 = arith.cmpi eq, %select_n3A, %eq3A_350 : vector<128x8x128xi32>
    %get3A_352 = arith.constant 10 : index
    %get3A_353 = arith.constant 0 : index
    %get3A_354 = arith.constant 0 : index
    %get3A_355 = vector.load %arg3[%get3A_352, %get3A_353, %get3A_354] : memref<16x8x128xf32, #tpu.memory_space<vmem>>, vector<1x8x128xf32>
    %get3A_356 = vector.shape_cast %get3A_355 : vector<1x8x128xf32> to vector<8x128xf32>
    %select_n3A_357 = arith.select %eq3A_351, %get3A_4, %broadcast_in_dim3A_21 : vector<128x8x128xi1>, vector<128x8x128xf32>
    %reduce_sum3A_358 = arith.constant dense<0.000000e+00> : vector<8x128xf32>
    %reduce_sum3A_359 = vector.multi_reduction <add>, %select_n3A_357, %reduce_sum3A_358 [0] : vector<128x8x128xf32> to vector<8x128xf32>
    %add3A_360 = arith.addf %get3A_356, %reduce_sum3A_359 : vector<8x128xf32>
    %swap3A_361 = arith.constant 10 : index
    %swap3A_362 = arith.constant 0 : index
    %swap3A_363 = arith.constant 0 : index
    %swap3A_364 = vector.load %arg3[%swap3A_361, %swap3A_362, %swap3A_363] : memref<16x8x128xf32, #tpu.memory_space<vmem>>, vector<1x8x128xf32>
    %swap3A_365 = vector.shape_cast %swap3A_364 : vector<1x8x128xf32> to vector<8x128xf32>
    %swap3A_366 = vector.shape_cast %add3A_360 : vector<8x128xf32> to vector<1x8x128xf32>
    tpu.vector_store %arg3[%swap3A_361, %swap3A_362, %swap3A_363], %swap3A_366 {strides = array<i32>} : memref<16x8x128xf32, #tpu.memory_space<vmem>>, vector<1x8x128xf32>,
    %get3A_367 = arith.constant 10 : index
    %get3A_368 = arith.constant 0 : index
    %get3A_369 = arith.constant 0 : index
    %get3A_370 = vector.load %arg4[%get3A_367, %get3A_368, %get3A_369] : memref<16x8x128xi32, #tpu.memory_space<vmem>>, vector<1x8x128xi32>
    %get3A_371 = vector.shape_cast %get3A_370 : vector<1x8x128xi32> to vector<8x128xi32>
    %select_n3A_372 = arith.select %eq3A_351, %or3A_17, %broadcast_in_dim3A_19 : vector<128x8x128xi1>, vector<128x8x128xi32>
    %reduce_sum3A_373 = arith.constant dense<0> : vector<8x128xi32>
    %reduce_sum3A_374 = vector.multi_reduction <add>, %select_n3A_372, %reduce_sum3A_373 [0] : vector<128x8x128xi32> to vector<8x128xi32>
    %add3A_375 = arith.addi %get3A_371, %reduce_sum3A_374 : vector<8x128xi32>
    %swap3A_376 = arith.constant 10 : index
    %swap3A_377 = arith.constant 0 : index
    %swap3A_378 = arith.constant 0 : index
    %swap3A_379 = vector.load %arg4[%swap3A_376, %swap3A_377, %swap3A_378] : memref<16x8x128xi32, #tpu.memory_space<vmem>>, vector<1x8x128xi32>
    %swap3A_380 = vector.shape_cast %swap3A_379 : vector<1x8x128xi32> to vector<8x128xi32>
    %swap3A_381 = vector.shape_cast %add3A_375 : vector<8x128xi32> to vector<1x8x128xi32>
    tpu.vector_store %arg4[%swap3A_376, %swap3A_377, %swap3A_378], %swap3A_381 {strides = array<i32>} : memref<16x8x128xi32, #tpu.memory_space<vmem>>, vector<1x8x128xi32>,
    %eq3A_382 = arith.constant 11 : i32
    %eq3A_383 = vector.broadcast %eq3A_382 : i32 to vector<128x8x128xi32>
    %eq3A_384 = arith.cmpi eq, %select_n3A, %eq3A_383 : vector<128x8x128xi32>
    %get3A_385 = arith.constant 11 : index
    %get3A_386 = arith.constant 0 : index
    %get3A_387 = arith.constant 0 : index
    %get3A_388 = vector.load %arg3[%get3A_385, %get3A_386, %get3A_387] : memref<16x8x128xf32, #tpu.memory_space<vmem>>, vector<1x8x128xf32>
    %get3A_389 = vector.shape_cast %get3A_388 : vector<1x8x128xf32> to vector<8x128xf32>
    %select_n3A_390 = arith.select %eq3A_384, %get3A_4, %broadcast_in_dim3A_21 : vector<128x8x128xi1>, vector<128x8x128xf32>
    %reduce_sum3A_391 = arith.constant dense<0.000000e+00> : vector<8x128xf32>
    %reduce_sum3A_392 = vector.multi_reduction <add>, %select_n3A_390, %reduce_sum3A_391 [0] : vector<128x8x128xf32> to vector<8x128xf32>
    %add3A_393 = arith.addf %get3A_389, %reduce_sum3A_392 : vector<8x128xf32>
    %swap3A_394 = arith.constant 11 : index
    %swap3A_395 = arith.constant 0 : index
    %swap3A_396 = arith.constant 0 : index
    %swap3A_397 = vector.load %arg3[%swap3A_394, %swap3A_395, %swap3A_396] : memref<16x8x128xf32, #tpu.memory_space<vmem>>, vector<1x8x128xf32>
    %swap3A_398 = vector.shape_cast %swap3A_397 : vector<1x8x128xf32> to vector<8x128xf32>
    %swap3A_399 = vector.shape_cast %add3A_393 : vector<8x128xf32> to vector<1x8x128xf32>
    tpu.vector_store %arg3[%swap3A_394, %swap3A_395, %swap3A_396], %swap3A_399 {strides = array<i32>} : memref<16x8x128xf32, #tpu.memory_space<vmem>>, vector<1x8x128xf32>,
    %get3A_400 = arith.constant 11 : index
    %get3A_401 = arith.constant 0 : index
    %get3A_402 = arith.constant 0 : index
    %get3A_403 = vector.load %arg4[%get3A_400, %get3A_401, %get3A_402] : memref<16x8x128xi32, #tpu.memory_space<vmem>>, vector<1x8x128xi32>
    %get3A_404 = vector.shape_cast %get3A_403 : vector<1x8x128xi32> to vector<8x128xi32>
    %select_n3A_405 = arith.select %eq3A_384, %or3A_17, %broadcast_in_dim3A_19 : vector<128x8x128xi1>, vector<128x8x128xi32>
    %reduce_sum3A_406 = arith.constant dense<0> : vector<8x128xi32>
    %reduce_sum3A_407 = vector.multi_reduction <add>, %select_n3A_405, %reduce_sum3A_406 [0] : vector<128x8x128xi32> to vector<8x128xi32>
    %add3A_408 = arith.addi %get3A_404, %reduce_sum3A_407 : vector<8x128xi32>
    %swap3A_409 = arith.constant 11 : index
    %swap3A_410 = arith.constant 0 : index
    %swap3A_411 = arith.constant 0 : index
    %swap3A_412 = vector.load %arg4[%swap3A_409, %swap3A_410, %swap3A_411] : memref<16x8x128xi32, #tpu.memory_space<vmem>>, vector<1x8x128xi32>
    %swap3A_413 = vector.shape_cast %swap3A_412 : vector<1x8x128xi32> to vector<8x128xi32>
    %swap3A_414 = vector.shape_cast %add3A_408 : vector<8x128xi32> to vector<1x8x128xi32>
    tpu.vector_store %arg4[%swap3A_409, %swap3A_410, %swap3A_411], %swap3A_414 {strides = array<i32>} : memref<16x8x128xi32, #tpu.memory_space<vmem>>, vector<1x8x128xi32>,
    %eq3A_415 = arith.constant 12 : i32
    %eq3A_416 = vector.broadcast %eq3A_415 : i32 to vector<128x8x128xi32>
    %eq3A_417 = arith.cmpi eq, %select_n3A, %eq3A_416 : vector<128x8x128xi32>
    %get3A_418 = arith.constant 12 : index
    %get3A_419 = arith.constant 0 : index
    %get3A_420 = arith.constant 0 : index
    %get3A_421 = vector.load %arg3[%get3A_418, %get3A_419, %get3A_420] : memref<16x8x128xf32, #tpu.memory_space<vmem>>, vector<1x8x128xf32>
    %get3A_422 = vector.shape_cast %get3A_421 : vector<1x8x128xf32> to vector<8x128xf32>
    %select_n3A_423 = arith.select %eq3A_417, %get3A_4, %broadcast_in_dim3A_21 : vector<128x8x128xi1>, vector<128x8x128xf32>
    %reduce_sum3A_424 = arith.constant dense<0.000000e+00> : vector<8x128xf32>
    %reduce_sum3A_425 = vector.multi_reduction <add>, %select_n3A_423, %reduce_sum3A_424 [0] : vector<128x8x128xf32> to vector<8x128xf32>
    %add3A_426 = arith.addf %get3A_422, %reduce_sum3A_425 : vector<8x128xf32>
    %swap3A_427 = arith.constant 12 : index
    %swap3A_428 = arith.constant 0 : index
    %swap3A_429 = arith.constant 0 : index
    %swap3A_430 = vector.load %arg3[%swap3A_427, %swap3A_428, %swap3A_429] : memref<16x8x128xf32, #tpu.memory_space<vmem>>, vector<1x8x128xf32>
    %swap3A_431 = vector.shape_cast %swap3A_430 : vector<1x8x128xf32> to vector<8x128xf32>
    %swap3A_432 = vector.shape_cast %add3A_426 : vector<8x128xf32> to vector<1x8x128xf32>
    tpu.vector_store %arg3[%swap3A_427, %swap3A_428, %swap3A_429], %swap3A_432 {strides = array<i32>} : memref<16x8x128xf32, #tpu.memory_space<vmem>>, vector<1x8x128xf32>,
    %get3A_433 = arith.constant 12 : index
    %get3A_434 = arith.constant 0 : index
    %get3A_435 = arith.constant 0 : index
    %get3A_436 = vector.load %arg4[%get3A_433, %get3A_434, %get3A_435] : memref<16x8x128xi32, #tpu.memory_space<vmem>>, vector<1x8x128xi32>
    %get3A_437 = vector.shape_cast %get3A_436 : vector<1x8x128xi32> to vector<8x128xi32>
    %select_n3A_438 = arith.select %eq3A_417, %or3A_17, %broadcast_in_dim3A_19 : vector<128x8x128xi1>, vector<128x8x128xi32>
    %reduce_sum3A_439 = arith.constant dense<0> : vector<8x128xi32>
    %reduce_sum3A_440 = vector.multi_reduction <add>, %select_n3A_438, %reduce_sum3A_439 [0] : vector<128x8x128xi32> to vector<8x128xi32>
    %add3A_441 = arith.addi %get3A_437, %reduce_sum3A_440 : vector<8x128xi32>
    %swap3A_442 = arith.constant 12 : index
    %swap3A_443 = arith.constant 0 : index
    %swap3A_444 = arith.constant 0 : index
    %swap3A_445 = vector.load %arg4[%swap3A_442, %swap3A_443, %swap3A_444] : memref<16x8x128xi32, #tpu.memory_space<vmem>>, vector<1x8x128xi32>
    %swap3A_446 = vector.shape_cast %swap3A_445 : vector<1x8x128xi32> to vector<8x128xi32>
    %swap3A_447 = vector.shape_cast %add3A_441 : vector<8x128xi32> to vector<1x8x128xi32>
    tpu.vector_store %arg4[%swap3A_442, %swap3A_443, %swap3A_444], %swap3A_447 {strides = array<i32>} : memref<16x8x128xi32, #tpu.memory_space<vmem>>, vector<1x8x128xi32>,
    %eq3A_448 = arith.constant 13 : i32
    %eq3A_449 = vector.broadcast %eq3A_448 : i32 to vector<128x8x128xi32>
    %eq3A_450 = arith.cmpi eq, %select_n3A, %eq3A_449 : vector<128x8x128xi32>
    %get3A_451 = arith.constant 13 : index
    %get3A_452 = arith.constant 0 : index
    %get3A_453 = arith.constant 0 : index
    %get3A_454 = vector.load %arg3[%get3A_451, %get3A_452, %get3A_453] : memref<16x8x128xf32, #tpu.memory_space<vmem>>, vector<1x8x128xf32>
    %get3A_455 = vector.shape_cast %get3A_454 : vector<1x8x128xf32> to vector<8x128xf32>
    %select_n3A_456 = arith.select %eq3A_450, %get3A_4, %broadcast_in_dim3A_21 : vector<128x8x128xi1>, vector<128x8x128xf32>
    %reduce_sum3A_457 = arith.constant dense<0.000000e+00> : vector<8x128xf32>
    %reduce_sum3A_458 = vector.multi_reduction <add>, %select_n3A_456, %reduce_sum3A_457 [0] : vector<128x8x128xf32> to vector<8x128xf32>
    %add3A_459 = arith.addf %get3A_455, %reduce_sum3A_458 : vector<8x128xf32>
    %swap3A_460 = arith.constant 13 : index
    %swap3A_461 = arith.constant 0 : index
    %swap3A_462 = arith.constant 0 : index
    %swap3A_463 = vector.load %arg3[%swap3A_460, %swap3A_461, %swap3A_462] : memref<16x8x128xf32, #tpu.memory_space<vmem>>, vector<1x8x128xf32>
    %swap3A_464 = vector.shape_cast %swap3A_463 : vector<1x8x128xf32> to vector<8x128xf32>
    %swap3A_465 = vector.shape_cast %add3A_459 : vector<8x128xf32> to vector<1x8x128xf32>
    tpu.vector_store %arg3[%swap3A_460, %swap3A_461, %swap3A_462], %swap3A_465 {strides = array<i32>} : memref<16x8x128xf32, #tpu.memory_space<vmem>>, vector<1x8x128xf32>,
    %get3A_466 = arith.constant 13 : index
    %get3A_467 = arith.constant 0 : index
    %get3A_468 = arith.constant 0 : index
    %get3A_469 = vector.load %arg4[%get3A_466, %get3A_467, %get3A_468] : memref<16x8x128xi32, #tpu.memory_space<vmem>>, vector<1x8x128xi32>
    %get3A_470 = vector.shape_cast %get3A_469 : vector<1x8x128xi32> to vector<8x128xi32>
    %select_n3A_471 = arith.select %eq3A_450, %or3A_17, %broadcast_in_dim3A_19 : vector<128x8x128xi1>, vector<128x8x128xi32>
    %reduce_sum3A_472 = arith.constant dense<0> : vector<8x128xi32>
    %reduce_sum3A_473 = vector.multi_reduction <add>, %select_n3A_471, %reduce_sum3A_472 [0] : vector<128x8x128xi32> to vector<8x128xi32>
    %add3A_474 = arith.addi %get3A_470, %reduce_sum3A_473 : vector<8x128xi32>
    %swap3A_475 = arith.constant 13 : index
    %swap3A_476 = arith.constant 0 : index
    %swap3A_477 = arith.constant 0 : index
    %swap3A_478 = vector.load %arg4[%swap3A_475, %swap3A_476, %swap3A_477] : memref<16x8x128xi32, #tpu.memory_space<vmem>>, vector<1x8x128xi32>
    %swap3A_479 = vector.shape_cast %swap3A_478 : vector<1x8x128xi32> to vector<8x128xi32>
    %swap3A_480 = vector.shape_cast %add3A_474 : vector<8x128xi32> to vector<1x8x128xi32>
    tpu.vector_store %arg4[%swap3A_475, %swap3A_476, %swap3A_477], %swap3A_480 {strides = array<i32>} : memref<16x8x128xi32, #tpu.memory_space<vmem>>, vector<1x8x128xi32>,
    %eq3A_481 = arith.constant 14 : i32
    %eq3A_482 = vector.broadcast %eq3A_481 : i32 to vector<128x8x128xi32>
    %eq3A_483 = arith.cmpi eq, %select_n3A, %eq3A_482 : vector<128x8x128xi32>
    %get3A_484 = arith.constant 14 : index
    %get3A_485 = arith.constant 0 : index
    %get3A_486 = arith.constant 0 : index
    %get3A_487 = vector.load %arg3[%get3A_484, %get3A_485, %get3A_486] : memref<16x8x128xf32, #tpu.memory_space<vmem>>, vector<1x8x128xf32>
    %get3A_488 = vector.shape_cast %get3A_487 : vector<1x8x128xf32> to vector<8x128xf32>
    %select_n3A_489 = arith.select %eq3A_483, %get3A_4, %broadcast_in_dim3A_21 : vector<128x8x128xi1>, vector<128x8x128xf32>
    %reduce_sum3A_490 = arith.constant dense<0.000000e+00> : vector<8x128xf32>
    %reduce_sum3A_491 = vector.multi_reduction <add>, %select_n3A_489, %reduce_sum3A_490 [0] : vector<128x8x128xf32> to vector<8x128xf32>
    %add3A_492 = arith.addf %get3A_488, %reduce_sum3A_491 : vector<8x128xf32>
    %swap3A_493 = arith.constant 14 : index
    %swap3A_494 = arith.constant 0 : index
    %swap3A_495 = arith.constant 0 : index
    %swap3A_496 = vector.load %arg3[%swap3A_493, %swap3A_494, %swap3A_495] : memref<16x8x128xf32, #tpu.memory_space<vmem>>, vector<1x8x128xf32>
    %swap3A_497 = vector.shape_cast %swap3A_496 : vector<1x8x128xf32> to vector<8x128xf32>
    %swap3A_498 = vector.shape_cast %add3A_492 : vector<8x128xf32> to vector<1x8x128xf32>
    tpu.vector_store %arg3[%swap3A_493, %swap3A_494, %swap3A_495], %swap3A_498 {strides = array<i32>} : memref<16x8x128xf32, #tpu.memory_space<vmem>>, vector<1x8x128xf32>,
    %get3A_499 = arith.constant 14 : index
    %get3A_500 = arith.constant 0 : index
    %get3A_501 = arith.constant 0 : index
    %get3A_502 = vector.load %arg4[%get3A_499, %get3A_500, %get3A_501] : memref<16x8x128xi32, #tpu.memory_space<vmem>>, vector<1x8x128xi32>
    %get3A_503 = vector.shape_cast %get3A_502 : vector<1x8x128xi32> to vector<8x128xi32>
    %select_n3A_504 = arith.select %eq3A_483, %or3A_17, %broadcast_in_dim3A_19 : vector<128x8x128xi1>, vector<128x8x128xi32>
    %reduce_sum3A_505 = arith.constant dense<0> : vector<8x128xi32>
    %reduce_sum3A_506 = vector.multi_reduction <add>, %select_n3A_504, %reduce_sum3A_505 [0] : vector<128x8x128xi32> to vector<8x128xi32>
    %add3A_507 = arith.addi %get3A_503, %reduce_sum3A_506 : vector<8x128xi32>
    %swap3A_508 = arith.constant 14 : index
    %swap3A_509 = arith.constant 0 : index
    %swap3A_510 = arith.constant 0 : index
    %swap3A_511 = vector.load %arg4[%swap3A_508, %swap3A_509, %swap3A_510] : memref<16x8x128xi32, #tpu.memory_space<vmem>>, vector<1x8x128xi32>
    %swap3A_512 = vector.shape_cast %swap3A_511 : vector<1x8x128xi32> to vector<8x128xi32>
    %swap3A_513 = vector.shape_cast %add3A_507 : vector<8x128xi32> to vector<1x8x128xi32>
    tpu.vector_store %arg4[%swap3A_508, %swap3A_509, %swap3A_510], %swap3A_513 {strides = array<i32>} : memref<16x8x128xi32, #tpu.memory_space<vmem>>, vector<1x8x128xi32>,
    return
  }
  func.func @transform_0(%arg0: i32) -> (i32, i32, i32) {
    %add3A = arith.constant 92 : i32
    %add3A_0 = arith.addi %add3A, %arg0 : i32
    %c0_i32 = arith.constant 0 : i32
    %c0_i32_1 = arith.constant 0 : i32
    %c0_i32_2 = arith.constant 0 : i32
    return %add3A_0, %c0_i32, %c0_i32_1 : i32, i32, i32
  }
  func.func @transform_1(%arg0: i32) -> (i32, i32, i32) {
    %add3A = arith.constant 92 : i32
    %add3A_0 = arith.addi %add3A, %arg0 : i32
    %c0_i32 = arith.constant 0 : i32
    %c0_i32_1 = arith.constant 0 : i32
    %c0_i32_2 = arith.constant 0 : i32
    return %add3A_0, %c0_i32, %c0_i32_1 : i32, i32, i32
  }
  func.func @transform_2(%arg0: i32) -> (i32, i32, i32) {
    %c0_i32 = arith.constant 0 : i32
    %c0_i32_0 = arith.constant 0 : i32
    %c0_i32_1 = arith.constant 0 : i32
    %c0_i32_2 = arith.constant 0 : i32
    return %c0_i32, %c0_i32_0, %c0_i32_1 : i32, i32, i32
  }
  func.func @transform_3(%arg0: i32) -> (i32, i32, i32) {
    %c0_i32 = arith.constant 0 : i32
    %c0_i32_0 = arith.constant 0 : i32
    %c0_i32_1 = arith.constant 0 : i32
    %c0_i32_2 = arith.constant 0 : i32
    return %c0_i32, %c0_i32_0, %c0_i32_1 : i32, i32, i32
  }
}

</mosaic_0001>

<sc_bundles>
// kernel: kernel.5.cloned.1.call-start
scs
__scs_entry_jumppad:
0x0: {  	(pc) =	sbr.rel $0x88, $3  }
0x1: {  	(tag) =	ssettag $0x0;
	lr =	simm.s32 $0x1  }
0x2: {  	[smem:$0x3F9F] =	sst lr;
	_ =	strace $0xD0000000  }
0x3: {  	_ = 	snop  }
0x4: {  	_ = 	snop  }
0x5: {  	_ = 	snop  }
0x6: {  	_ = 	snop  }
0x7: {  	_ = 	snop  }
__scs_overlays_trampoline_lowered:
0x8: {  	[smem:$0x3FAE] =	sst s0  }
0x9: {  	[smem:$0x3FAF] =	sst s1  }
0xa: {  	[smem:$0x3FB0] =	sst s2  }
0xb: {  	[smem:$0x3FB1] =	sst s3  }
0xc: {  	[smem:$0x3FB2] =	sst s4  }
0xd: {  	[smem:$0x3FB3] =	sst s5  }
0xe: {  	[smem:$0x3FB4] =	sst s6  }
0xf: {  	[smem:$0x3FB5] =	sst s7  }
0x10: {  	[smem:$0x3FB6] =	sst s8  }
0x11: {  	[smem:$0x3FB7] =	sst s9;
	s0 =	simm.s32 @!p0 $0x0  }
0x12: {  	s1 =	sld [smem:$0x3F9D];
	s0 =	simm.s32 @p0 $0x1  }
0x13: {  	[smem:$0x3FB8] =	sst s0;
	s0 =	simm.s32 @!p1 $0x0  }
0x14: {  	s2 =	sld [smem:$0x3F9C];
	s0 =	simm.s32 @p1 $0x1  }
0x15: {  	[smem:$0x3FB9] =	sst s0;
	s0 =	simm.s32 @!p2 $0x0  }
0x16: {  	s3 =	sld [smem:$0x3FDB];
	s0 =	simm.s32 @p2 $0x1  }
0x17: {  	s4 =	simm.s32 $0x1BF5;
	[smem:$0x3FBB] =	sst s0  }
0x18: {  	s0 =	sld [smem:$0x3F9E];
	_ =	swait.ge [sflag:s4], $0x0  }
0x19: {  	s7 =	sld [smem:$0x3F9F]  }
0x1a: {  	s8 =	sadd.s32 $0xFFFFE003, lr  }
0x1b: {  	s9 =	sadd.s32 $0xFFFFFEF7, lr;
	s5 =	simm.s32 $0xFFFFFFFF;
	p2 =	slt.u32 s8, $0xFFFFF086  }
0x1c: {  	p1 =	slt.u32 s9, $0xF7A;
	s5 =	simm.s32 @!p2 $0x0  }
0x1d: {  	s5 =	simm.s32 @p1 $0x1;
	p0 =	seq.s32 s7, s2  }
0x1e: {  	s7 =	smul.u32 @!p0 $0xF7A, s2;
	p2 =	seq.s32 @!p0 s5, $0x0  }
0x1f: {  	s9 =	smul.u32 $0xF7A, s1;
	s8 =	simm.s32 @!p0 $0x1BF5;
	p2 =	por !p2, p0  }
0x20: {  	[sflag:s8] =	ssyncset.s32 @!p0 $0xFFFFF086;
	s6 =	sadd.s32 @!p0 s3, s7;
	s7 =	simm.s32 @!p0 $0x108  }
0x21: {  	s3 =	sadd.s32 s3, s9;
	s6 =	sadd.s32 @!p0 $0x88, s6;
	s7 =	simm.s32 @p2 $0x1082  }
0x22: {  	[simem:s7], [sflag:s8] =	dma.local @!p0 [hbm:s6], $0xF7A  }
0x23: {  	s9 =	sor.u32 $0xD0000000, s2;
	s6 =	simm.s32 $0x108;
	_ =	swait.ge @!p0 [sflag:s8], $0x0  }
0x24: {  	s3 =	sadd.s32 $0x88, s3;
	s6 =	simm.s32 @!p1 $0x1082;
	[sflag:s4] =	ssyncset.s32 $0xFFFFF086  }
0x25: {  	[simem:s6], [sflag:s4] =	dma.local [hbm:s3], $0xF7A  }
0x26: {  	[smem:$0x3F9F] =	sst s1;
	(tag) =	ssettag s2;
	_ =	strace s9  }
0x27: {  	s1 =	sld [smem:$0x3FAF]  }
0x28: {  	s2 =	sld [smem:$0x3FB0]  }
0x29: {  	s4 =	sld [smem:$0x3FB2]  }
0x2a: {  	p0 =	seq.s32 s5, $0x0;
	s5 =	sld [smem:$0x3FB3]  }
0x2b: {  	s6 =	sld [smem:$0x3FB4]  }
0x2c: {  	s7 =	sld [smem:$0x3FB5]  }
0x2d: {  	s3 =	simm.s32 $0x108;
	s8 =	sld [smem:$0x3FB6]  }
0x2e: {  	s3 =	simm.s32 @!p0 $0x1082;
	s9 =	sld [smem:$0x3FB7]  }
0x2f: {  	lr =	sadd.s32 s0, s3;
	s0 =	sld [smem:$0x3FAE]  }
0x30: {  	s3 =	sld [smem:$0x3FB1]  }
0x31: {  	[smem:$0x3FBA] =	sst s10  }
0x32: {  	s10 =	sld [smem:$0x3FB8];
	_ =	sdelay $0x3  }
0x33: {  	p0 =	seq.s32 s10, $0x1;
	s10 =	sld [smem:$0x3FBA];
	_ =	sdelay $0x3  }
0x34: {  	[smem:$0x3FBA] =	sst s10  }
0x35: {  	s10 =	sld [smem:$0x3FB9];
	_ =	sdelay $0x3  }
0x36: {  	p1 =	seq.s32 s10, $0x1;
	s10 =	sld [smem:$0x3FBA];
	_ =	sdelay $0x3  }
0x37: {  	[smem:$0x3FBA] =	sst s10  }
0x38: {  	s10 =	sld [smem:$0x3FBB]  }
0x39: {  	_ = 	snop;
	(pc) =	sbr.ind lr, $3  }
0x3a: {  	_ = 	snop  }
0x3b: {  	_ = 	snop  }
0x3c: {  	p2 =	seq.s32 s10, $0x1;
	s10 =	sld [smem:$0x3FBA]  }
0x3d: {  	_ =	shalt  }
0x3e: {  	_ =	shalt  }
0x3f: {  	_ =	shalt  }
0x40: {  	_ =	shalt  }
0x41: {  	_ =	shalt  }
0x42: {  	_ =	shalt  }
0x43: {  	_ =	shalt  }
0x44: {  	_ =	shalt  }
0x45: {  	_ =	shalt  }
0x46: {  	_ =	shalt  }
0x47: {  	_ =	shalt  }
0x48: {  	_ =	shalt  }
0x49: {  	_ =	shalt  }
0x4a: {  	_ =	shalt  }
0x4b: {  	_ =	shalt  }
0x4c: {  	_ =	shalt  }
0x4d: {  	_ =	shalt  }
0x4e: {  	_ =	shalt  }
0x4f: {  	_ =	shalt  }
0x50: {  	_ =	shalt  }
0x51: {  	_ =	shalt  }
0x52: {  	_ =	shalt  }
0x53: {  	_ =	shalt  }
0x54: {  	_ =	shalt  }
0x55: {  	_ =	shalt  }
0x56: {  	_ =	shalt  }
0x57: {  	_ =	shalt  }
0x58: {  	_ =	shalt  }
0x59: {  	_ =	shalt  }
0x5a: {  	_ =	shalt  }
0x5b: {  	_ =	shalt  }
0x5c: {  	_ =	shalt  }
0x5d: {  	_ =	shalt  }
0x5e: {  	_ =	shalt  }
0x5f: {  	_ =	shalt  }
0x60: {  	_ =	shalt  }
0x61: {  	_ =	shalt  }
0x62: {  	_ =	shalt  }
0x63: {  	_ =	shalt  }
0x64: {  	_ =	shalt  }
0x65: {  	_ =	shalt  }
0x66: {  	_ =	shalt  }
0x67: {  	_ =	shalt  }
0x68: {  	_ =	shalt  }
0x69: {  	_ =	shalt  }
0x6a: {  	_ =	shalt  }
0x6b: {  	_ =	shalt  }
0x6c: {  	_ =	shalt  }
0x6d: {  	_ =	shalt  }
0x6e: {  	_ =	shalt  }
0x6f: {  	_ =	shalt  }
0x70: {  	_ =	shalt  }
0x71: {  	_ =	shalt  }
0x72: {  	_ =	shalt  }
0x73: {  	_ =	shalt  }
0x74: {  	_ =	shalt  }
0x75: {  	_ =	shalt  }
0x76: {  	_ =	shalt  }
0x77: {  	_ =	shalt  }
0x78: {  	_ =	shalt  }
0x79: {  	_ =	shalt  }
0x7a: {  	_ =	shalt  }
0x7b: {  	_ =	shalt  }
0x7c: {  	_ =	shalt  }
0x7d: {  	_ =	shalt  }
0x7e: {  	_ =	shalt  }
0x7f: {  	_ =	shalt  }
0x80: {  	_ =	shalt  }
0x81: {  	_ =	shalt  }
0x82: {  	_ =	shalt  }
0x83: {  	_ =	shalt  }
0x84: {  	_ =	shalt  }
0x85: {  	_ =	shalt  }
0x86: {  	_ =	shalt  }
0x87: {  	_ =	shalt  }
.Lfunc_end0:
.L_simem_size_0:
called_computation_lowered:
.L_overlay_start_0:
0x88: {  	s2 =	sld [smem:$0x3FD9]  }
0x89: {  	s3 =	sld [smem:$0x3FFE];
	_ =	sdelay $0x1  }
0x8a: {  	s1 =	srdreg.scid  }
0x8b: {  	s0 =	sand.u32 $0x1, s1  }
0x8c: {  	s17 =	sshll.u32 s0, $0xA;
	s2 =	sadd.s32 s3, s2  }
0x8d: {  	s2 =	sadd.s32 s2, s17  }
0x8e: {  	[smem:$0x3FC6] =	sst s2  }
0x8f: {  	_ = 	snop  }
0x90: {  	s2 =	sld [smem:$0x3FC9]  }
0x91: {  	s18 =	sld [smem:$0x3FC8];
	(tm) =	ssettm $0x1  }
0x92: {  	s4 =	sld [smem:$0x3FFB];
	_ =	sdelay $0x3  }
0x93: {  	_ =	strace s4  }
0x94: {  	s4 =	sld [smem:$0x3FFC];
	_ =	sdelay $0x3  }
0x95: {  	_ =	strace s4  }
0x96: {  	s4 =	sld [smem:$0x3FFD];
	_ =	sdelay $0x3  }
0x97: {  	_ =	strace s4  }
0x98: {  	_ =	strace $0x8FFFFFFF  }
0x99: {  	s19 =	sld [smem:$0x3FDB];
	_ =	sdelay $0x1  }
0x9a: {  	s5 =	simm.s32 $_scs_section_size  }
0x9b: {  	s6 =	simm.s32 $_size__tile_overlayer_lowered;
	s7 =	simm.s32 $_tile_overlayer_lowered  }
0x9c: {  	s22 =	simm.s32 $0x1BFF;
	s21 =	sshll.u32 s7, $0x1;
	s4 =	sadd.s32 s5, s19  }
0x9d: {  	s8 =	simm.s32 $0x0;
	s20 =	sshll.u32 s6, $0x1;
	s6 =	sadd.s32 s21, s4  }
0x9e: {  	[timem:s8], [sflag:s22] =	dma.local [hbm:s6], s20  }
0x9f: {  	_ =	swait.ge [sflag:s22], s20  }
0xa0: {  	s5 =	ssub.s32 $0x0, s20;
	[sflag:s22] =	ssyncset.done $0x0  }
0xa1: {  	[sflag:s22] =	ssyncadd.s32 s5;
	_ =	sdelay $0x1  }
0xa2: {  	s23 =	simm.s32 $0x1B8B  }
0xa3: {  	_ =	swait.ge [sflag:s23], $0x1  }
0xa4: {  	[sflag:s23] =	ssyncset.done $0x0  }
0xa5: {  	s25 =	simm.s32 $0x1B8E;
	s24 =	sld [smem:$0x3FFE];
	[sflag:s23] =	ssyncadd.s32 $0xFFFFFFFF  }
0xa6: {  	s26 =	simm.s32 $execute0_lowered;
	[smem:$0x3FD2] =	sst s25  }
0xa7: {  	s6 =	sshll.u32 s26, $0x1;
	_ =	strace $0x80000046;
	[dreg:$0x1] =	wrdreg $0xFFFFFFFF  }
0xa8: {  	s28 =	simm.s32 $_size_execute0_lowered;
	s4 =	sadd.s32 s4, s6;
	[dreg:$0x0] =	wrdreg $0x0  }
0xa9: {  	s6 =	sshll.u32 s28, $0x1;
	[dreg:$0x2] =	wrdreg s4  }
0xaa: {  	[dreg:$0x3] =	wrdreg s6  }
0xab: {  	[dreg:$0x4] =	wrdreg $0xC0  }
0xac: {  	_ =	task [dreg:s8], $0x5FFFF  }
0xad: {  	[dreg:$0x1] =	wrdreg $0xFFFFFFFF  }
0xae: {  	[dreg:$0x0] =	wrdreg $0x60  }
0xaf: {  	[dreg:$0x2] =	wrdreg s2  }
0xb0: {  	[dreg:$0x3] =	wrdreg s18  }
0xb1: {  	[dreg:$0x4] =	wrdreg s24  }
0xb2: {  	[dreg:$0x5] =	wrdreg $0x9  }
0xb3: {  	_ =	task.clear_ibuf [dreg:s8], $0x6FFFF;
	_ =	strace $0x90000046  }
0xb4: {  	s29 =	simm.s32 $0x9;
	_ =	strace $0x80000048  }
0xb5: {  	_ =	swait.ge [sflag:s29], $0x1  }
0xb6: {  	[sflag:s29] =	ssyncadd.s32 $0xFFFFFFFF  }
0xb7: {  	_ =	strace $0x90000048  }
0xb8: {  	_ =	sfence  }
0xb9: {  	s30 =	sld [smem:$0x0];
	_ =	sdelay $0x2  }
0xba: {  	s31 =	sshll.u32 s1, $0xD;
	s1 =	sshrl.u32 s1, $0x2  }
0xbb: {  	s3 =	sand.u32 $0x4000, s31;
	s1 =	sadd.s32 s1, s30  }
0xbc: {  	s0 =	sor.u32 s3, s0;
	s1 =	sshll.u32 s1, $0x11  }
0xbd: {  	s0 =	sor.u32 s1, s0  }
0xbe: {  	s0 =	sadd.s32 $0x8F2B, s0  }
0xbf: {  	[sflag:s0] =	ssyncadd.remote.s32 $0x1  }
0xc0: {  	_ =	sfence.sel $0xFFFF  }
0xc1: {  	[dreg:$0x0] =	wrdreg $0xFFFFFFFF;
	(pc) =	sbr.abs _section_cstart, $3  }
0xc2: {  	[dreg:$0x1] =	wrdreg $0xFFFFFFFF  }
0xc3: {  	_ =	task.clear_ibuf [dreg:s8], $0x2FFFF;
	_ =	strace $0x9FFFFFFF  }
0xc4: {  	(tm) =	ssettm $0x7FFFFFFF  }
0xc5: {  	_ =	shalt  }
tec
execute0_lowered:
.L_overlay_start_1:
0x0: {  	(tag) =	ssettag $0x1  }
0x1: {  	s1 =	rddreg [dreg:$0x0]  }
0x2: {  	s3 =	rddreg [dreg:$0x1];
	s2 =	srdreg.scid  }
0x3: {  	s0 =	stileid.u32;
	s5 =	rddreg [dreg:$0x2];
	s4 =	simm.s32 $0x0  }
0x4: {  	s14 =	simm.s32 $0x4000;
	s15 =	simm.s32 $0x2000;
	s16 =	simm.s32 $0x6000  }
0x5: {  	s17 =	simm.s32 $0x1;
	s18 =	simm.s32 $0x3;
	s19 =	simm.s32 $0x8000  }
0x6: {  	s20 =	simm.s32 $0x8100;
	s21 =	simm.s32 $0x2;
	s22 =	simm.s32 $0x4  }
0x7: {  	s23 =	simm.s32 $0x80;
	s24 =	simm.s32 $0x400;
	s25 =	simm.s32 $0x5  }
0x8: {  	s26 =	simm.s32 $0x0;
	s2 =	sand.u32 $0x1, s2;
	s6 =	sshll.u32 s0, $0x1  }
0x9: {  	[smem:$0x7FF] =	sst s4;
	s7 =	sshll.u32 s0, $0x6;
	s6 =	sor.u32 s2, s6  }
0xa: {  	s7 =	sand.u32 $0x300, s7;
	s2 =	ssub.s32 $0x2, s2;
	s8 =	sshll.u32 s6, $0x4  }
0xb: {  	s10 =	smul.u32 $0x5C000, s6;
	s29 =	sshrl.u32 s2, $0x1;
	s8 =	sand.u32 $0x70, s8  }
0xc: {  	_ =	strace $0x80000047;
	s2 =	ssub.s32 s2, s29;
	s28 =	sor.u32 s7, s8  }
0xd: {  	s30 =	sshrl.u32 s10, $0x3;
	s9 =	sadd.s32 $0x4000, s10;
	s10 =	sadd.s32 $0x6000, s10  }
0xe: {  	s13 =	smax.u32 s2, $0x1;
	s12 =	sadd.s32 s28, s5;
	s31 =	sor.u32 $0x400, s30  }
0xf: {  	s5 =	sadd.s32 s1, s30;
	s6 =	sadd.s32 s3, s30;
	s7 =	sadd.s32 s1, s31  }
0x10: {  	v0 =	vimm.f32 $0.0e+00;
	v1 =	vimm.s32 $0x0;
	v2 =	vlaneseq.u32;
	s8 =	sadd.s32 s3, s31;
	s11 =	sadd.s32 $0xE00, s12;
	s12 =	sadd.s32 $0x1200, s12  }
.LBB2_1:
0x11: {  	[tilespmem:$0x8000] =	vst v0  }
0x12: {  	[tilespmem:$0x8100] =	vst v1  }
0x13: {  	[tilespmem:$0x8010] =	vst v0  }
0x14: {  	[tilespmem:$0x8110] =	vst v1  }
0x15: {  	[tilespmem:$0x8020] =	vst v0  }
0x16: {  	[tilespmem:$0x8120] =	vst v1  }
0x17: {  	[tilespmem:$0x8030] =	vst v0  }
0x18: {  	[tilespmem:$0x8130] =	vst v1  }
0x19: {  	[tilespmem:$0x8040] =	vst v0  }
0x1a: {  	[tilespmem:$0x8140] =	vst v1  }
0x1b: {  	[tilespmem:$0x8050] =	vst v0  }
0x1c: {  	[tilespmem:$0x8150] =	vst v1  }
0x1d: {  	[tilespmem:$0x8060] =	vst v0  }
0x1e: {  	[tilespmem:$0x8160] =	vst v1  }
0x1f: {  	[tilespmem:$0x8070] =	vst v0  }
0x20: {  	[tilespmem:$0x8170] =	vst v1  }
0x21: {  	[tilespmem:$0x8080] =	vst v0  }
0x22: {  	[tilespmem:$0x8180] =	vst v1  }
0x23: {  	[tilespmem:$0x8090] =	vst v0  }
0x24: {  	[tilespmem:$0x8190] =	vst v1  }
0x25: {  	[tilespmem:$0x80A0] =	vst v0  }
0x26: {  	[tilespmem:$0x81A0] =	vst v1  }
0x27: {  	[tilespmem:$0x80B0] =	vst v0  }
0x28: {  	[tilespmem:$0x81B0] =	vst v1  }
0x29: {  	[tilespmem:$0x80C0] =	vst v0  }
0x2a: {  	[tilespmem:$0x81C0] =	vst v1  }
0x2b: {  	[tilespmem:$0x80D0] =	vst v0  }
0x2c: {  	[tilespmem:$0x81D0] =	vst v1  }
0x2d: {  	[tilespmem:$0x80E0] =	vst v0  }
0x2e: {  	[tilespmem:$0x81E0] =	vst v1  }
0x2f: {  	[tilespmem:$0x80F0] =	vst v0  }
0x30: {  	[tilespmem:$0x81F0] =	vst v1  }
0x31: {  	[tilespmem:s4], [sflag:$0x1] =	stream.linear.gather [hbm4b:s5+s4], $0x2000, $0x38;
	[tilespmem:$0x8200] =	vst v63  }
0x32: {  	_ = 	snop  }
0x33: {  	[tilespmem:s14], [sflag:$0x3] =	stream.linear.gather [hbm4b:s6+s4], $0x2000, $0x38;
	[tilespmem:$0x8200] =	vst v63  }
0x34: {  	_ = 	snop  }
0x35: {  	[tilespmem:s15], [sflag:$0x2] =	stream.linear.gather [hbm4b:s7+s4], $0x2000, $0x38;
	[tilespmem:$0x8200] =	vst v63  }
0x36: {  	s28 =	simm.s32 $0x0  }
0x37: {  	[tilespmem:s16], [sflag:$0x4] =	stream.linear.gather [hbm4b:s8+s4], $0x2000, $0x38;
	[tilespmem:$0x8200] =	vst v63  }
.LBB2_2:
0x38: {  	_ =	swait.ge [sflag:s17], $0x2000  }
0x39: {  	[sflag:s17] =	ssyncset.done $0x0  }
0x3a: {  	[sflag:s17] =	ssyncadd.s32 $0xFFFFE000  }
0x3b: {  	_ =	swait.ge [sflag:s18], $0x2000  }
0x3c: {  	[sflag:s18] =	ssyncset.done $0x0  }
0x3d: {  	s2 =	simm.s32 $0x20;
	[sflag:s18] =	ssyncadd.s32 $0xFFFFE000  }
0x3e: {  	v6 =	vld [tilespmem:s2+$0x10];
	_ =	sdelay $0x1  }
0x3f: {  	v4 =	vld [tilespmem:s2+$0xFFFFFFF0]  }
0x40: {  	v3 =	vld [tilespmem:s2+$0x0]  }
0x41: {  	v5 =	vld [tilespmem:s2+$0xFFFFFFE0]  }
0x42: {  	v7 =	vmul.f32 $1.500000000e+01, v6;
	_ =	sdelay $0x1  }
0x43: {  	v8 =	vmul.f32 $1.500000000e+01, v4;
	v7 =	vtrunc.f32 v7  }
0x44: {  	v9 =	vmul.f32 $1.500000000e+01, v3;
	v7 =	vcvt.f32.s32 v7  }
0x45: {  	s29 =	simm.s32 $0x4020;
	vm1 =	vgt.f32 v4, $0.0e+00;
	v11 =	vmul.f32 $1.500000000e+01, v5;
	vm4 =	vgt.f32 v6, $0.0e+00  }
0x46: {  	v10 =	vld [tilespmem:s29+$0x10];
	v8 =	vtrunc.f32 v8;
	v9 =	vtrunc.f32 v9;
	v7 =	vshll.u32 v7, $0x4  }
0x47: {  	v12 =	vld [tilespmem:s29+$0xFFFFFFE0];
	v11 =	vtrunc.f32 v11;
	v13 =	vcvt.f32.s32 v8;
	v8 =	vor.u32 v2, v7  }
0x48: {  	vm2 =	vgt.f32 v3, $0.0e+00;
	v14 =	vcvt.f32.s32 v11;
	v15 =	vcvt.f32.s32 v9;
	v11 =	vld [tilespmem:s29+$0xFFFFFFF0]  }
0x49: {  	vm0 =	vgt.f32 v5, $0.0e+00;
	vm1 =	vmmov vm1;
	v9 =	vld [tilespmem:s29+$0x0];
	v7 =	vshll.u32 v13, $0x4  }
0x4a: {  	s30 =	simm.s32 $0x0;
	s31 =	simm.s32 $0x60;
	v14 =	vshll.u32 v14, $0x4;
	v13 =	vshll.u32 v15, $0x4;
	v7 =	vor.u32 v2, v7  }
.LBB2_3:
0x4b: {  	v15 =	vld [tilespmem:s31+$0x10];
	v14 =	vor.u32 v2, v14;
	v16 =	vor.u32 v2, v13;
	v10 =	vshll.u32 v10, $0x10  }
0x4c: {  	vm3 =	vmmov vm2;
	v12 =	vshll.u32 v12, $0x10;
	[tilespmem:v8+s19+$0x0] =	vst.idx.add.f32.msk vm4, v6;
	v6 =	vor.u32 $0x1, v10  }
0x4d: {  	s30 =	sadd.s32 $0x40, s30;
	v10 =	vor.u32 $0x1, v12;
	v11 =	vshll.u32 v11, $0x10;
	[tilespmem:v8+s20+$0x0] =	vst.idx.add.s32.msk vm4, v6  }
0x4e: {  	p0 =	slt.u32 s30, $0x1FC0;
	v8 =	vld [tilespmem:s31+$0xFFFFFFF0];
	v11 =	vor.u32 $0x1, v11;
	v13 =	vshll.u32 v9, $0x10  }
0x4f: {  	v9 =	vld [tilespmem:s31+$0x0];
	v17 =	vor.u32 $0x1, v13  }
0x50: {  	v12 =	vld [tilespmem:s31+$0xFFFFFFE0];
	v6 =	vmov v15  }
0x51: {  	v13 =	vmul.f32 $1.500000000e+01, v6;
	[tilespmem:v14+s19+$0x0] =	vst.idx.add.f32.msk vm0, v5  }
0x52: {  	[tilespmem:v14+s20+$0x0] =	vst.idx.add.s32.msk vm0, v10  }
0x53: {  	v14 =	vmul.f32 $1.500000000e+01, v8;
	vm5 =	vgt.f32 v8, $0.0e+00;
	v10 =	vtrunc.f32 v13;
	[tilespmem:v7+s19+$0x0] =	vst.idx.add.f32.msk vm1, v4;
	v4 =	vmovc v8  }
0x54: {  	v8 =	vmul.f32 $1.500000000e+01, v9;
	vm2 =	vgt.f32 v9, $0.0e+00;
	v13 =	vcvt.f32.s32 v10;
	[tilespmem:v7+s20+$0x0] =	vst.idx.add.s32.msk vm1, v11  }
0x55: {  	s29 =	sadd.s32 $0x40, s29;
	v7 =	vmul.f32 $1.500000000e+01, v12;
	vm0 =	vgt.f32 v12, $0.0e+00;
	v11 =	vtrunc.f32 v14;
	[tilespmem:v16+s19+$0x0] =	vst.idx.add.f32.msk vm3, v3;
	v3 =	vmovc v9;
	v5 =	vmovc v12  }
.Ltmp0:
0x56: {  	vm4 =	vgt.f32 v6, $0.0e+00;
	v9 =	vtrunc.f32 v8;
	v10 =	vld [tilespmem:s29+$0x10];
	v8 =	vshll.u32 v13, $0x4;
	(pc) =	sbr.rel @p0 .LBB2_3-.Ltmp0, $4  }
0x57: {  	v13 =	vcvt.f32.s32 v11;
	v12 =	vld [tilespmem:s29+$0xFFFFFFE0];
	v7 =	vtrunc.f32 v7;
	v8 =	vor.u32 v2, v8  }
0x58: {  	vm1 =	vmmov vm5;
	v15 =	vcvt.f32.s32 v9;
	v7 =	vcvt.f32.s32 v7;
	v11 =	vld [tilespmem:s29+$0xFFFFFFF0]  }
0x59: {  	v13 =	vshll.u32 v13, $0x4;
	v9 =	vld [tilespmem:s29+$0x0]  }
0x5a: {  	s31 =	sadd.s32 $0x40, s31;
	v14 =	vshll.u32 v7, $0x4;
	v7 =	vor.u32 v2, v13;
	v13 =	vshll.u32 v15, $0x4;
	[tilespmem:v16+s20+$0x0] =	vst.idx.add.s32.msk vm3, v17  }
0x5b: {  	_ =	sdelay $0x2  }
0x5c: {  	v14 =	vor.u32 v2, v14  }
0x5d: {  	v10 =	vshll.u32 v10, $0x10;
	vm2 =	vmmov vm2  }
0x5e: {  	[tilespmem:v8+s19+$0x0] =	vst.idx.add.f32.msk vm4, v6;
	v6 =	vor.u32 $0x1, v10;
	v10 =	vor.u32 v2, v13  }
0x5f: {  	[tilespmem:v7+s19+$0x0] =	vst.idx.add.f32.msk vm1, v4  }
0x60: {  	v12 =	vshll.u32 v12, $0x10;
	[tilespmem:v8+s20+$0x0] =	vst.idx.add.s32.msk vm4, v6  }
0x61: {  	v6 =	vor.u32 $0x1, v12;
	[tilespmem:v14+s19+$0x0] =	vst.idx.add.f32.msk vm0, v5  }
0x62: {  	s29 =	sshll.u32 s28, $0xE;
	v5 =	vshll.u32 v11, $0x10;
	[tilespmem:v14+s20+$0x0] =	vst.idx.add.s32.msk vm0, v6  }
0x63: {  	s2 =	sadd.s32 s29, s9;
	v4 =	vshll.u32 v9, $0x10;
	v5 =	vor.u32 $0x1, v5;
	[tilespmem:v10+s19+$0x0] =	vst.idx.add.f32.msk vm2, v3  }
0x64: {  	s2 =	sshrl.u32 s2, $0x3;
	v4 =	vor.u32 $0x1, v4;
	[tilespmem:v7+s20+$0x0] =	vst.idx.add.s32.msk vm1, v5  }
0x65: {  	s30 =	sadd.s32 s1, s2;
	[tilespmem:v10+s20+$0x0] =	vst.idx.add.s32.msk vm2, v4  }
0x66: {  	[tilespmem:s4], [sflag:$0x1] =	stream.linear.gather [hbm4b:s30+s4], $0x2000, $0x38;
	[tilespmem:$0x8200] =	vst v63  }
0x67: {  	s2 =	sadd.s32 s3, s2  }
0x68: {  	[tilespmem:s14], [sflag:$0x3] =	stream.linear.gather [hbm4b:s2+s4], $0x2000, $0x38;
	[tilespmem:$0x8200] =	vst v63  }
0x69: {  	_ =	swait.ge [sflag:s21], $0x2000  }
0x6a: {  	[sflag:s21] =	ssyncset.done $0x0  }
0x6b: {  	[sflag:s21] =	ssyncadd.s32 $0xFFFFE000  }
0x6c: {  	_ =	swait.ge [sflag:s22], $0x2000  }
0x6d: {  	[sflag:s22] =	ssyncset.done $0x0  }
0x6e: {  	s2 =	simm.s32 $0x2030;
	[sflag:s22] =	ssyncadd.s32 $0xFFFFE000  }
0x6f: {  	v6 =	vld [tilespmem:s2+$0x0];
	_ =	sdelay $0x1  }
0x70: {  	v4 =	vld [tilespmem:s2+$0xFFFFFFE0]  }
0x71: {  	v3 =	vld [tilespmem:s2+$0xFFFFFFF0]  }
0x72: {  	v5 =	vld [tilespmem:s2+$0xFFFFFFD0]  }
0x73: {  	v7 =	vmul.f32 $1.500000000e+01, v6;
	_ =	sdelay $0x1  }
0x74: {  	v8 =	vmul.f32 $1.500000000e+01, v4;
	v7 =	vtrunc.f32 v7  }
0x75: {  	v9 =	vmul.f32 $1.500000000e+01, v3;
	v7 =	vcvt.f32.s32 v7  }
0x76: {  	s30 =	simm.s32 $0x6030;
	vm1 =	vgt.f32 v4, $0.0e+00;
	v10 =	vmul.f32 $1.500000000e+01, v5;
	vm4 =	vgt.f32 v6, $0.0e+00  }
0x77: {  	v8 =	vtrunc.f32 v8;
	v11 =	vtrunc.f32 v9;
	v9 =	vld [tilespmem:s30+$0x0];
	v7 =	vshll.u32 v7, $0x4  }
0x78: {  	v12 =	vld [tilespmem:s30+$0xFFFFFFD0];
	v10 =	vtrunc.f32 v10;
	v13 =	vcvt.f32.s32 v8;
	v8 =	vor.u32 v2, v7  }
0x79: {  	vm2 =	vgt.f32 v3, $0.0e+00;
	v14 =	vcvt.f32.s32 v10;
	v15 =	vcvt.f32.s32 v11;
	v11 =	vld [tilespmem:s30+$0xFFFFFFE0]  }
0x7a: {  	vm0 =	vgt.f32 v5, $0.0e+00;
	vm1 =	vmmov vm1;
	v10 =	vld [tilespmem:s30+$0xFFFFFFF0];
	v7 =	vshll.u32 v13, $0x4  }
0x7b: {  	s31 =	simm.s32 $0x0;
	s2 =	simm.s32 $0x2070;
	v14 =	vshll.u32 v14, $0x4;
	v13 =	vshll.u32 v15, $0x4;
	v7 =	vor.u32 v2, v7  }
.LBB2_5:
0x7c: {  	v15 =	vld [tilespmem:s2+$0x0];
	v14 =	vor.u32 v2, v14;
	v16 =	vor.u32 v2, v13;
	v9 =	vshll.u32 v9, $0x10  }
0x7d: {  	vm3 =	vmmov vm2;
	v12 =	vshll.u32 v12, $0x10;
	[tilespmem:v8+s19+$0x0] =	vst.idx.add.f32.msk vm4, v6;
	v6 =	vor.u32 $0x1, v9  }
0x7e: {  	s31 =	sadd.s32 $0x40, s31;
	v9 =	vor.u32 $0x1, v12;
	v11 =	vshll.u32 v11, $0x10;
	[tilespmem:v8+s20+$0x0] =	vst.idx.add.s32.msk vm4, v6  }
0x7f: {  	p0 =	slt.u32 s31, $0x1FC0;
	v8 =	vld [tilespmem:s2+$0xFFFFFFE0];
	v11 =	vor.u32 $0x1, v11;
	v13 =	vshll.u32 v10, $0x10  }
0x80: {  	v10 =	vld [tilespmem:s2+$0xFFFFFFF0];
	v17 =	vor.u32 $0x1, v13  }
0x81: {  	v12 =	vld [tilespmem:s2+$0xFFFFFFD0];
	v6 =	vmov v15  }
0x82: {  	v13 =	vmul.f32 $1.500000000e+01, v6;
	[tilespmem:v14+s19+$0x0] =	vst.idx.add.f32.msk vm0, v5  }
0x83: {  	[tilespmem:v14+s20+$0x0] =	vst.idx.add.s32.msk vm0, v9  }
0x84: {  	v14 =	vmul.f32 $1.500000000e+01, v8;
	vm5 =	vgt.f32 v8, $0.0e+00;
	v9 =	vtrunc.f32 v13;
	[tilespmem:v7+s19+$0x0] =	vst.idx.add.f32.msk vm1, v4;
	v4 =	vmovc v8  }
0x85: {  	v8 =	vmul.f32 $1.500000000e+01, v10;
	vm2 =	vgt.f32 v10, $0.0e+00;
	v13 =	vcvt.f32.s32 v9;
	[tilespmem:v7+s20+$0x0] =	vst.idx.add.s32.msk vm1, v11  }
0x86: {  	s30 =	sadd.s32 $0x40, s30;
	v7 =	vmul.f32 $1.500000000e+01, v12;
	vm0 =	vgt.f32 v12, $0.0e+00;
	v11 =	vtrunc.f32 v14;
	[tilespmem:v16+s19+$0x0] =	vst.idx.add.f32.msk vm3, v3;
	v3 =	vmovc v10;
	v5 =	vmovc v12  }
.Ltmp1:
0x87: {  	vm4 =	vgt.f32 v6, $0.0e+00;
	v10 =	vtrunc.f32 v8;
	v9 =	vld [tilespmem:s30+$0x0];
	v8 =	vshll.u32 v13, $0x4;
	(pc) =	sbr.rel @p0 .LBB2_5-.Ltmp1, $4  }
0x88: {  	v13 =	vcvt.f32.s32 v11;
	v12 =	vld [tilespmem:s30+$0xFFFFFFD0];
	v7 =	vtrunc.f32 v7;
	v8 =	vor.u32 v2, v8  }
0x89: {  	vm1 =	vmmov vm5;
	v15 =	vcvt.f32.s32 v10;
	v7 =	vcvt.f32.s32 v7;
	v11 =	vld [tilespmem:s30+$0xFFFFFFE0]  }
0x8a: {  	v13 =	vshll.u32 v13, $0x4;
	v10 =	vld [tilespmem:s30+$0xFFFFFFF0]  }
0x8b: {  	s2 =	sadd.s32 $0x40, s2;
	v14 =	vshll.u32 v7, $0x4;
	v7 =	vor.u32 v2, v13;
	v13 =	vshll.u32 v15, $0x4;
	[tilespmem:v16+s20+$0x0] =	vst.idx.add.s32.msk vm3, v17  }
0x8c: {  	_ =	sdelay $0x2  }
0x8d: {  	v14 =	vor.u32 v2, v14;
	_ =	sdelay $0x1  }
0x8e: {  	v9 =	vshll.u32 v9, $0x10;
	[tilespmem:v8+s19+$0x0] =	vst.idx.add.f32.msk vm4, v6;
	vm2 =	vmmov vm2  }
0x8f: {  	v60 =	vor.u32 v2, v13;
	[tilespmem:v7+s19+$0x0] =	vst.idx.add.f32.msk vm1, v4;
	v59 =	vor.u32 $0x1, v9  }
0x90: {  	v12 =	vshll.u32 v12, $0x10;
	[tilespmem:v8+s20+$0x0] =	vst.idx.add.s32.msk vm4, v59  }
0x91: {  	v61 =	vor.u32 $0x1, v12;
	v62 =	vshll.u32 v11, $0x10;
	[tilespmem:v14+s19+$0x0] =	vst.idx.add.f32.msk vm0, v5  }
0x92: {  	s28 =	sadd.s32 $0x1, s28;
	v5 =	vor.u32 $0x1, v62;
	[tilespmem:v14+s20+$0x0] =	vst.idx.add.s32.msk vm0, v61  }
0x93: {  	s2 =	sadd.s32 s29, s10;
	p0 =	sne.s32 s28, $0x16;
	v63 =	vshll.u32 v10, $0x10;
	[tilespmem:v7+s20+$0x0] =	vst.idx.add.s32.msk vm1, v5  }
.Ltmp2:
0x94: {  	s2 =	sshrl.u32 s2, $0x3;
	v4 =	vor.u32 $0x1, v63;
	[tilespmem:v60+s19+$0x0] =	vst.idx.add.f32.msk vm2, v3;
	(pc) =	sbr.rel @p0 .LBB2_2-.Ltmp2, $4  }
0x95: {  	s31 =	sadd.s32 s1, s2;
	[tilespmem:v60+s20+$0x0] =	vst.idx.add.s32.msk vm2, v4  }
0x96: {  	[tilespmem:s15], [sflag:$0x2] =	stream.linear.gather [hbm4b:s31+s4], $0x2000, $0x38;
	[tilespmem:$0x8200] =	vst v63  }
0x97: {  	s2 =	sadd.s32 s3, s2  }
0x98: {  	[tilespmem:s16], [sflag:$0x4] =	stream.linear.gather [hbm4b:s2+s4], $0x2000, $0x38;
	[tilespmem:$0x8200] =	vst v63  }
0x99: {  	_ =	swait.ge [sflag:s17], $0x2000  }
0x9a: {  	[sflag:s17] =	ssyncset.done $0x0  }
0x9b: {  	[sflag:s17] =	ssyncadd.s32 $0xFFFFE000  }
0x9c: {  	_ =	swait.ge [sflag:s18], $0x2000  }
0x9d: {  	[sflag:s18] =	ssyncset.done $0x0  }
0x9e: {  	s2 =	simm.s32 $0x20;
	[sflag:s18] =	ssyncadd.s32 $0xFFFFE000  }
0x9f: {  	v6 =	vld [tilespmem:s2+$0x10];
	_ =	sdelay $0x1  }
0xa0: {  	v4 =	vld [tilespmem:s2+$0xFFFFFFF0]  }
0xa1: {  	v3 =	vld [tilespmem:s2+$0x0]  }
0xa2: {  	v5 =	vld [tilespmem:s2+$0xFFFFFFE0]  }
0xa3: {  	v7 =	vmul.f32 $1.500000000e+01, v6;
	_ =	sdelay $0x1  }
0xa4: {  	v8 =	vmul.f32 $1.500000000e+01, v4;
	v7 =	vtrunc.f32 v7  }
0xa5: {  	v9 =	vmul.f32 $1.500000000e+01, v3;
	v7 =	vcvt.f32.s32 v7  }
0xa6: {  	s28 =	simm.s32 $0x4020;
	vm1 =	vgt.f32 v4, $0.0e+00;
	v10 =	vmul.f32 $1.500000000e+01, v5;
	vm4 =	vgt.f32 v6, $0.0e+00  }
0xa7: {  	v8 =	vtrunc.f32 v8;
	v11 =	vtrunc.f32 v9;
	v9 =	vld [tilespmem:s28+$0x10];
	v7 =	vshll.u32 v7, $0x4  }
0xa8: {  	v12 =	vld [tilespmem:s28+$0xFFFFFFE0];
	v10 =	vtrunc.f32 v10;
	v13 =	vcvt.f32.s32 v8;
	v8 =	vor.u32 v2, v7  }
0xa9: {  	vm2 =	vgt.f32 v3, $0.0e+00;
	v14 =	vcvt.f32.s32 v10;
	v15 =	vcvt.f32.s32 v11;
	v11 =	vld [tilespmem:s28+$0xFFFFFFF0]  }
0xaa: {  	vm0 =	vgt.f32 v5, $0.0e+00;
	vm1 =	vmmov vm1;
	v10 =	vld [tilespmem:s28+$0x0];
	v7 =	vshll.u32 v13, $0x4  }
0xab: {  	s29 =	simm.s32 $0x0;
	s2 =	simm.s32 $0x60;
	v14 =	vshll.u32 v14, $0x4;
	v13 =	vshll.u32 v15, $0x4;
	v7 =	vor.u32 v2, v7  }
.LBB2_8:
0xac: {  	v15 =	vld [tilespmem:s2+$0x10];
	v14 =	vor.u32 v2, v14;
	v16 =	vor.u32 v2, v13;
	v9 =	vshll.u32 v9, $0x10  }
0xad: {  	vm3 =	vmmov vm2;
	v12 =	vshll.u32 v12, $0x10;
	[tilespmem:v8+s19+$0x0] =	vst.idx.add.f32.msk vm4, v6;
	v6 =	vor.u32 $0x1, v9  }
0xae: {  	s29 =	sadd.s32 $0x40, s29;
	v9 =	vor.u32 $0x1, v12;
	v11 =	vshll.u32 v11, $0x10;
	[tilespmem:v8+s20+$0x0] =	vst.idx.add.s32.msk vm4, v6  }
0xaf: {  	p0 =	slt.u32 s29, $0x1FC0;
	v8 =	vld [tilespmem:s2+$0xFFFFFFF0];
	v11 =	vor.u32 $0x1, v11;
	v13 =	vshll.u32 v10, $0x10  }
0xb0: {  	v10 =	vld [tilespmem:s2+$0x0];
	v17 =	vor.u32 $0x1, v13  }
0xb1: {  	v12 =	vld [tilespmem:s2+$0xFFFFFFE0];
	v6 =	vmov v15  }
0xb2: {  	v13 =	vmul.f32 $1.500000000e+01, v6;
	[tilespmem:v14+s19+$0x0] =	vst.idx.add.f32.msk vm0, v5  }
0xb3: {  	[tilespmem:v14+s20+$0x0] =	vst.idx.add.s32.msk vm0, v9  }
0xb4: {  	v14 =	vmul.f32 $1.500000000e+01, v8;
	vm5 =	vgt.f32 v8, $0.0e+00;
	v9 =	vtrunc.f32 v13;
	[tilespmem:v7+s19+$0x0] =	vst.idx.add.f32.msk vm1, v4;
	v4 =	vmovc v8  }
0xb5: {  	v8 =	vmul.f32 $1.500000000e+01, v10;
	vm2 =	vgt.f32 v10, $0.0e+00;
	v13 =	vcvt.f32.s32 v9;
	[tilespmem:v7+s20+$0x0] =	vst.idx.add.s32.msk vm1, v11  }
0xb6: {  	s28 =	sadd.s32 $0x40, s28;
	v7 =	vmul.f32 $1.500000000e+01, v12;
	vm0 =	vgt.f32 v12, $0.0e+00;
	v11 =	vtrunc.f32 v14;
	[tilespmem:v16+s19+$0x0] =	vst.idx.add.f32.msk vm3, v3;
	v3 =	vmovc v10;
	v5 =	vmovc v12  }
.Ltmp3:
0xb7: {  	vm4 =	vgt.f32 v6, $0.0e+00;
	v10 =	vtrunc.f32 v8;
	v9 =	vld [tilespmem:s28+$0x10];
	v8 =	vshll.u32 v13, $0x4;
	(pc) =	sbr.rel @p0 .LBB2_8-.Ltmp3, $4  }
0xb8: {  	v13 =	vcvt.f32.s32 v11;
	v12 =	vld [tilespmem:s28+$0xFFFFFFE0];
	v7 =	vtrunc.f32 v7;
	v8 =	vor.u32 v2, v8  }
0xb9: {  	vm1 =	vmmov vm5;
	v15 =	vcvt.f32.s32 v10;
	v7 =	vcvt.f32.s32 v7;
	v11 =	vld [tilespmem:s28+$0xFFFFFFF0]  }
0xba: {  	v13 =	vshll.u32 v13, $0x4;
	v10 =	vld [tilespmem:s28+$0x0]  }
0xbb: {  	s2 =	sadd.s32 $0x40, s2;
	v14 =	vshll.u32 v7, $0x4;
	v7 =	vor.u32 v2, v13;
	v13 =	vshll.u32 v15, $0x4;
	[tilespmem:v16+s20+$0x0] =	vst.idx.add.s32.msk vm3, v17  }
0xbc: {  	_ =	sdelay $0x2  }
0xbd: {  	v14 =	vor.u32 v2, v14  }
0xbe: {  	v9 =	vshll.u32 v9, $0x10;
	vm2 =	vmmov vm2  }
0xbf: {  	[tilespmem:v8+s19+$0x0] =	vst.idx.add.f32.msk vm4, v6;
	v6 =	vor.u32 $0x1, v9;
	v9 =	vor.u32 v2, v13  }
0xc0: {  	[tilespmem:v7+s19+$0x0] =	vst.idx.add.f32.msk vm1, v4  }
0xc1: {  	v12 =	vshll.u32 v12, $0x10;
	[tilespmem:v8+s20+$0x0] =	vst.idx.add.s32.msk vm4, v6  }
0xc2: {  	v6 =	vor.u32 $0x1, v12;
	[tilespmem:v14+s19+$0x0] =	vst.idx.add.f32.msk vm0, v5  }
0xc3: {  	v5 =	vshll.u32 v11, $0x10;
	[tilespmem:v14+s20+$0x0] =	vst.idx.add.s32.msk vm0, v6  }
0xc4: {  	v4 =	vshll.u32 v10, $0x10;
	v5 =	vor.u32 $0x1, v5;
	[tilespmem:v9+s19+$0x0] =	vst.idx.add.f32.msk vm2, v3  }
0xc5: {  	v4 =	vor.u32 $0x1, v4;
	[tilespmem:v7+s20+$0x0] =	vst.idx.add.s32.msk vm1, v5  }
0xc6: {  	[tilespmem:v9+s20+$0x0] =	vst.idx.add.s32.msk vm2, v4  }
0xc7: {  	_ =	swait.ge [sflag:s21], $0x2000  }
0xc8: {  	[sflag:s21] =	ssyncset.done $0x0  }
0xc9: {  	[sflag:s21] =	ssyncadd.s32 $0xFFFFE000  }
0xca: {  	_ =	swait.ge [sflag:s22], $0x2000  }
0xcb: {  	[sflag:s22] =	ssyncset.done $0x0  }
0xcc: {  	s2 =	simm.s32 $0x2030;
	[sflag:s22] =	ssyncadd.s32 $0xFFFFE000  }
0xcd: {  	v6 =	vld [tilespmem:s2+$0x0];
	_ =	sdelay $0x1  }
0xce: {  	v4 =	vld [tilespmem:s2+$0xFFFFFFE0]  }
0xcf: {  	v3 =	vld [tilespmem:s2+$0xFFFFFFF0]  }
0xd0: {  	v5 =	vld [tilespmem:s2+$0xFFFFFFD0]  }
0xd1: {  	v7 =	vmul.f32 $1.500000000e+01, v6;
	_ =	sdelay $0x1  }
0xd2: {  	v8 =	vmul.f32 $1.500000000e+01, v4;
	v7 =	vtrunc.f32 v7  }
0xd3: {  	v9 =	vmul.f32 $1.500000000e+01, v3;
	v7 =	vcvt.f32.s32 v7  }
0xd4: {  	s28 =	simm.s32 $0x6030;
	vm1 =	vgt.f32 v4, $0.0e+00;
	v10 =	vmul.f32 $1.500000000e+01, v5;
	vm4 =	vgt.f32 v6, $0.0e+00  }
0xd5: {  	v8 =	vtrunc.f32 v8;
	v11 =	vtrunc.f32 v9;
	v9 =	vld [tilespmem:s28+$0x0];
	v7 =	vshll.u32 v7, $0x4  }
0xd6: {  	v12 =	vld [tilespmem:s28+$0xFFFFFFD0];
	v10 =	vtrunc.f32 v10;
	v13 =	vcvt.f32.s32 v8;
	v8 =	vor.u32 v2, v7  }
0xd7: {  	vm2 =	vgt.f32 v3, $0.0e+00;
	v14 =	vcvt.f32.s32 v10;
	v15 =	vcvt.f32.s32 v11;
	v11 =	vld [tilespmem:s28+$0xFFFFFFE0]  }
0xd8: {  	vm0 =	vgt.f32 v5, $0.0e+00;
	vm1 =	vmmov vm1;
	v10 =	vld [tilespmem:s28+$0xFFFFFFF0];
	v7 =	vshll.u32 v13, $0x4  }
0xd9: {  	s29 =	simm.s32 $0x0;
	s2 =	simm.s32 $0x2070;
	v14 =	vshll.u32 v14, $0x4;
	v13 =	vshll.u32 v15, $0x4;
	v7 =	vor.u32 v2, v7  }
.LBB2_10:
0xda: {  	v15 =	vld [tilespmem:s2+$0x0];
	v14 =	vor.u32 v2, v14;
	v16 =	vor.u32 v2, v13;
	v9 =	vshll.u32 v9, $0x10  }
0xdb: {  	vm3 =	vmmov vm2;
	v12 =	vshll.u32 v12, $0x10;
	[tilespmem:v8+s19+$0x0] =	vst.idx.add.f32.msk vm4, v6;
	v6 =	vor.u32 $0x1, v9  }
0xdc: {  	s29 =	sadd.s32 $0x40, s29;
	v9 =	vor.u32 $0x1, v12;
	v11 =	vshll.u32 v11, $0x10;
	[tilespmem:v8+s20+$0x0] =	vst.idx.add.s32.msk vm4, v6  }
0xdd: {  	p0 =	slt.u32 s29, $0x1FC0;
	v8 =	vld [tilespmem:s2+$0xFFFFFFE0];
	v11 =	vor.u32 $0x1, v11;
	v13 =	vshll.u32 v10, $0x10  }
0xde: {  	v10 =	vld [tilespmem:s2+$0xFFFFFFF0];
	v17 =	vor.u32 $0x1, v13  }
0xdf: {  	v12 =	vld [tilespmem:s2+$0xFFFFFFD0];
	v6 =	vmov v15  }
0xe0: {  	v13 =	vmul.f32 $1.500000000e+01, v6;
	[tilespmem:v14+s19+$0x0] =	vst.idx.add.f32.msk vm0, v5  }
0xe1: {  	[tilespmem:v14+s20+$0x0] =	vst.idx.add.s32.msk vm0, v9  }
0xe2: {  	v14 =	vmul.f32 $1.500000000e+01, v8;
	vm5 =	vgt.f32 v8, $0.0e+00;
	v9 =	vtrunc.f32 v13;
	[tilespmem:v7+s19+$0x0] =	vst.idx.add.f32.msk vm1, v4;
	v4 =	vmovc v8  }
0xe3: {  	v8 =	vmul.f32 $1.500000000e+01, v10;
	vm2 =	vgt.f32 v10, $0.0e+00;
	v13 =	vcvt.f32.s32 v9;
	[tilespmem:v7+s20+$0x0] =	vst.idx.add.s32.msk vm1, v11  }
0xe4: {  	s28 =	sadd.s32 $0x40, s28;
	v7 =	vmul.f32 $1.500000000e+01, v12;
	vm0 =	vgt.f32 v12, $0.0e+00;
	v11 =	vtrunc.f32 v14;
	[tilespmem:v16+s19+$0x0] =	vst.idx.add.f32.msk vm3, v3;
	v3 =	vmovc v10;
	v5 =	vmovc v12  }
.Ltmp4:
0xe5: {  	vm4 =	vgt.f32 v6, $0.0e+00;
	v10 =	vtrunc.f32 v8;
	v9 =	vld [tilespmem:s28+$0x0];
	v8 =	vshll.u32 v13, $0x4;
	(pc) =	sbr.rel @p0 .LBB2_10-.Ltmp4, $4  }
0xe6: {  	v13 =	vcvt.f32.s32 v11;
	v12 =	vld [tilespmem:s28+$0xFFFFFFD0];
	v7 =	vtrunc.f32 v7;
	v8 =	vor.u32 v2, v8  }
0xe7: {  	vm1 =	vmmov vm5;
	v15 =	vcvt.f32.s32 v10;
	v7 =	vcvt.f32.s32 v7;
	v11 =	vld [tilespmem:s28+$0xFFFFFFE0]  }
0xe8: {  	v13 =	vshll.u32 v13, $0x4;
	v10 =	vld [tilespmem:s28+$0xFFFFFFF0]  }
0xe9: {  	s2 =	sadd.s32 $0x40, s2;
	v14 =	vshll.u32 v7, $0x4;
	v7 =	vor.u32 v2, v13;
	v13 =	vshll.u32 v15, $0x4;
	[tilespmem:v16+s20+$0x0] =	vst.idx.add.s32.msk vm3, v17  }
0xea: {  	_ =	sdelay $0x2  }
0xeb: {  	v14 =	vor.u32 v2, v14;
	_ =	sdelay $0x1  }
0xec: {  	v9 =	vshll.u32 v9, $0x10;
	[tilespmem:v8+s19+$0x0] =	vst.idx.add.f32.msk vm4, v6;
	vm2 =	vmmov vm2  }
0xed: {  	v60 =	vor.u32 v2, v13;
	[tilespmem:v7+s19+$0x0] =	vst.idx.add.f32.msk vm1, v4;
	v59 =	vor.u32 $0x1, v9  }
0xee: {  	v12 =	vshll.u32 v12, $0x10;
	[tilespmem:v8+s20+$0x0] =	vst.idx.add.s32.msk vm4, v59  }
0xef: {  	v61 =	vor.u32 $0x1, v12;
	v62 =	vshll.u32 v11, $0x10;
	[tilespmem:v14+s19+$0x0] =	vst.idx.add.f32.msk vm0, v5  }
0xf0: {  	v5 =	vor.u32 $0x1, v62;
	[tilespmem:v14+s20+$0x0] =	vst.idx.add.s32.msk vm0, v61  }
0xf1: {  	v63 =	vshll.u32 v10, $0x10;
	[tilespmem:v7+s20+$0x0] =	vst.idx.add.s32.msk vm1, v5  }
0xf2: {  	v4 =	vor.u32 $0x1, v63;
	[tilespmem:v60+s19+$0x0] =	vst.idx.add.f32.msk vm2, v3  }
0xf3: {  	[tilespmem:v60+s20+$0x0] =	vst.idx.add.s32.msk vm2, v4  }
0xf4: {  	[hbm4b:s11+s23] =	stream.strided.scatter [tilespmem:s19], [sflag:$0x5], $0x100, s24, s23, $0x38;
	[tilespmem:$0x8200] =	vst v63  }
0xf5: {  	s26 =	sadd.s32 $0x1, s26;
	_ =	swait.ge [sflag:s25], $0x100  }
0xf6: {  	p0 =	sne.s32 s26, s13;
	[sflag:s25] =	ssyncset.done $0x0  }
.Ltmp5:
0xf7: {  	[sflag:s25] =	ssyncadd.s32 $0xFFFFFF00;
	(pc) =	sbr.rel @p0 .LBB2_1-.Ltmp5, $4  }
0xf8: {  	[hbm4b:s12+s23] =	stream.strided.scatter [tilespmem:s20], [sflag:$0x5], $0x100, s24, s23, $0x38;
	[tilespmem:$0x8200] =	vst v63  }
0xf9: {  	_ =	swait.ge [sflag:s25], $0x100  }
0xfa: {  	[sflag:s25] =	ssyncset.done $0x0  }
0xfb: {  	[sflag:s25] =	ssyncadd.s32 $0xFFFFFF00  }
0xfc: {  	_ =	sfence.sel $0x180000  }
0xfd: {  	[bflag:$0x0] =	sbarrier.arrive $0xFFFF  }
0xfe: {  	_ =	strace $0x90000047  }
0xff: {  	[bflag:$0x2] =	sbarrier.arrive $0xFFFF  }
0x100: {  	p0 =	sne.s32 s0, $0x0;
	s0 =	rddreg [dreg:$0x3]  }
0x101: {  	s0 =	sadd.s32 @!p0 $0x100000, s0  }
0x102: {  	[sflag:s0] =	ssyncadd.tile.s32 @!p0 $0x1;
	_ =	shalt  }
.Lfunc_end2:
_tile_overlayer_lowered:
.L_overlay_start_2:
0x103: {  	(tag) =	ssettag $0x2  }
0x104: {  	s0 =	rddreg [dreg:$0x0];
	s2 =	stileid.u32  }
0x105: {  	s1 =	rddreg [dreg:$0x1];
	p0 =	sne.s32 s2, $0x0  }
0x106: {  	s3 =	rddreg [dreg:$0x2];
	[bflag:$0x3] =	sbarrier.arrive $0xFFFF;
	s2 =	simm.s32 @!p0 $0x1C05  }
0x107: {  	[timem:s3], [sflag:s2] =	dma.local @!p0 [hbm:s0], s1  }
0x108: {  	s0 =	simm.s32 @!p0 $0x5  }
0x109: {  	_ =	swait.ge @!p0 [sflag:s0], s1  }
0x10a: {  	s1 =	ssub.s32 @!p0 $0x0, s1;
	[sflag:s0] =	ssyncset.done @!p0 $0x0  }
0x10b: {  	[sflag:s0] =	ssyncadd.s32 @!p0 s1  }
0x10c: {  	[bflag:$0x3] =	sbarrier.arrive $0xFFFF  }
0x10d: {  	_ =	shalt  }

</sc_bundles>
